<compile_context>
chip_gen: v7x
topology: tpu7x:2x2x1
jax: 0.10.2.dev20260603
libtpu: 0.0.44.dev20260713+nightly
codegen_flags: <defaults>
</compile_context>

<pallas_src>
import functools

import jax
import jax.numpy as jnp
from jax import lax
from jax.experimental import pallas as pl
from jax.experimental.pallas import tpu as pltpu
from jax.experimental.pallas import tpu_sc as plsc
from jax.extend import core as jex_core
from jax.interpreters import mlir
from jax._src import core as _jcore
from jax._src import dispatch as _dispatch
from jaxlib.mlir import ir

_H = 8192
_W = 8192
_MAX_OPS = 35
_BR = 64
_NCH = _H // _BR



def _scal_body(params_hbm, scal_hbm, pbuf, obuf):
    cid = lax.axis_index("c")
    sid = lax.axis_index("s")
    wid = sid + cid

    @pl.when(wid == 0)
    def _():
        pltpu.sync_copy(params_hbm, pbuf)
        lane = lax.iota(jnp.int32, 16)
        lim = jnp.where(
            lane == 0,
            _MAX_OPS - 1,
            jnp.where((lane == 1) | (lane == 2), _H - 1, 0),
        )
        obuf[...] = jnp.clip(pbuf[...], 0, lim)
        pltpu.sync_copy(obuf, scal_hbm)


_clip_scalars = functools.partial(
    pl.kernel,
    out_type=jax.ShapeDtypeStruct((16,), jnp.int32),
    mesh=plsc.VectorSubcoreMesh(core_axis_name="c", subcore_axis_name="s",
                                num_cores=1),
    scratch_types=[
        pltpu.VMEM((16,), jnp.int32),
        pltpu.VMEM((16,), jnp.int32),
    ],
)(_scal_body)



def _mask_body(scal_ref, out_hbm, zbuf, obuf, sem):
    r = jnp.clip(scal_ref[1], 0, _H - 1)
    c = jnp.clip(scal_ref[2], 0, _W - 1)

    rit = r % 8
    cit = c % 128
    rb = pl.multiple_of((r // 8) * 8, 8)
    cb = pl.multiple_of((c // 128) * 128, 128)

    zbuf[...] = jnp.zeros((_BR, _W), jnp.int8)
    ri = lax.broadcasted_iota(jnp.int32, (8, 128), 0)
    ci = lax.broadcasted_iota(jnp.int32, (8, 128), 1)
    obuf[...] = ((ri == rit) & (ci == cit)).astype(jnp.int8)

    copies = [
        pltpu.async_copy(zbuf, out_hbm.at[pl.ds(k * _BR, _BR), :], sem)
        for k in range(_NCH)
    ]
    for cp in copies:
        cp.wait()
    pltpu.async_copy(obuf, out_hbm.at[pl.ds(rb, 8), pl.ds(cb, 128)], sem).wait()


_fill_i8 = pl.pallas_call(
    _mask_body,
    in_specs=[pl.BlockSpec(memory_space=pltpu.SMEM)],
    out_specs=pl.BlockSpec(memory_space=pl.ANY),
    out_shape=jax.ShapeDtypeStruct((_H, _W), jnp.int8),
    scratch_shapes=[
        pltpu.VMEM((_BR, _W), jnp.int8),
        pltpu.VMEM((8, 128), jnp.int8),
        pltpu.SemaphoreType.DMA,
    ],
)

_pred_fill_p = jex_core.Primitive("pred_point_fill")
_pred_fill_p.def_abstract_eval(
    lambda p: _jcore.ShapedArray((_H, _W), jnp.bool_)
)
_pred_fill_p.def_impl(
    functools.partial(_dispatch.apply_primitive, _pred_fill_p)
)


def _pred_fill_lowering(ctx, params):
    int8_aval = _jcore.ShapedArray((_H, _W), jnp.int8)
    ctx8 = ctx.replace(avals_out=(int8_aval,))
    out = mlir.lower_fun(_fill_i8, multiple_results=False)(ctx8, params)
    (res,) = out if isinstance(out, (list, tuple)) else (out,)
    while isinstance(res, (list, tuple)):
        res = res[0]
    op = res.owner
    attrs = {}
    for i in range(len(op.attributes)):
        named = op.attributes[i]
        attrs[named.name] = named.attr
    pred_ty = ir.RankedTensorType.get(
        (_H, _W), ir.IntegerType.get_signless(1)
    )
    new_op = ir.Operation.create(
        op.name,
        results=[pred_ty],
        operands=list(op.operands),
        attributes=attrs,
    )
    op.erase()
    return [new_op.results[0]]


mlir.register_lowering(_pred_fill_p, _pred_fill_lowering)


def kernel(operation, action_type, row, col, grid_height, grid_width):
    head = jnp.stack(
        [
            jnp.asarray(operation, jnp.int32),
            jnp.asarray(row, jnp.int32),
            jnp.asarray(col, jnp.int32),
            jnp.asarray(action_type, jnp.int32),
        ]
    )
    params = jnp.concatenate([head, jnp.zeros((12,), jnp.int32)])
    scal = _clip_scalars(params)
    mask = _pred_fill_p.bind(params)
    return (mask, scal[0], scal[3], scal[1], scal[2])

# --- scband reference (transcript-rebuilt; emitter-appended) ---
"""Pipeline reference for scband-point-action-60919816126509 (READ-ONLY COPY).

The authoritative reference and input builder live on the scoring server;
editing this copy changes nothing except your own understanding.
"""

import jax, jax.numpy as jnp
import numpy as np

GRID_H = 8192
GRID_W = 8192
MAX_OPERATIONS = 35

def setup_inputs(seed: int = 0) -> dict:
    key = jax.random.key(seed)
    k1, k2, k3 = jax.random.split(key, 3)
    return {
        "operation": jax.random.randint(k1, (), 0, MAX_OPERATIONS, dtype=jnp.int32),
        "action_type": jnp.array(0, dtype=jnp.int32),
        "row": jax.random.randint(k2, (), 0, GRID_H, dtype=jnp.int32),
        "col": jax.random.randint(k3, (), 0, GRID_W, dtype=jnp.int32),
        "grid_height": GRID_H,
        "grid_width": GRID_W,
    }

def reference(operation, action_type, row, col, grid_height, grid_width):
    # PointAction.validate: clip operation and coordinates into range
    valid_operation = jnp.clip(operation, 0, MAX_OPERATIONS - 1)
    valid_action_type = jnp.array(0, dtype=jnp.int32)
    valid_row = jnp.clip(row, 0, grid_height - 1)
    valid_col = jnp.clip(col, 0, grid_width - 1)
    # PointAction.to_selection_mask: allocate boolean grid, scatter-set single point
    mask = jnp.zeros((GRID_H, GRID_W), dtype=jnp.bool_)
    # to_selection_mask re-clips internally (identical result after validate)
    vr = jnp.clip(valid_row, 0, grid_height - 1)
    vc = jnp.clip(valid_col, 0, grid_width - 1)
    mask = mask.at[vr, vc].set(True)
    return (mask, valid_operation, valid_action_type, valid_row, valid_col)

if __name__ == "__main__":
    import jax
    _d = setup_inputs()
    print(jax.jit(kernel)(*tuple(_d.values())))

</pallas_src>

<mosaic_0001>
#map = affine_map<(d0, d1) -> (0)>
module attributes {stable_mosaic.version = 14 : i64} {
  func.func @_scal_body(%arg0: i32, %arg1: i32, %arg2: memref<16xi32, #tpu.memory_space<hbm>>, %arg3: memref<16xi32, #tpu.memory_space<hbm>>, %arg4: memref<16xi32, #tpu.memory_space<vmem>>, %arg5: memref<16xi32, #tpu.memory_space<vmem>>) attributes {dimension_semantics = [#tpu.dimension_semantics<core_parallel>, #tpu.dimension_semantics<subcore_parallel>], iteration_bounds = array<i64: 1, 16>, scalar_prefetch = 0 : i64, scratch_operands = 2 : i64, tpu.core_type = #tpu.core_type<sc_vector_subcore>, window_params = [{transform_indices = #map}, {transform_indices = #map}]} {
    %add3A = arith.addi %arg1, %arg0 : i32
    %eq3A = arith.constant 0 : i32
    %eq3A_0 = arith.cmpi eq, %add3A, %eq3A : i32
    %convert_element_type3A = arith.extui %eq3A_0 : i1 to i32
    %cond3A = arith.constant 0 : i32
    %cond3A_1 = arith.cmpi ne, %convert_element_type3A, %cond3A : i32
    scf.if %cond3A_1 {
      "tpu.region"() ({
        %run_scoped3A = tpu.sem_alloc : memref<!tpu.dma_semaphore, #tpu.memory_space<semaphore_mem>>
        tpu.enqueue_dma source(%arg2 : memref<16xi32, #tpu.memory_space<hbm>>) target(%arg4 : memref<16xi32, #tpu.memory_space<vmem>>) target_semaphore(%run_scoped3A : memref<!tpu.dma_semaphore, #tpu.memory_space<semaphore_mem>>)
        tpu.wait_dma2 semaphore(%run_scoped3A : memref<!tpu.dma_semaphore, #tpu.memory_space<semaphore_mem>>) src(%arg2 : memref<16xi32, #tpu.memory_space<hbm>>) dst(%arg4 : memref<16xi32, #tpu.memory_space<vmem>>)
        tpu.yield
      }) : () -> ()
      %iota3A = tpu.iota {dimensions = array<i32: 0>} : vector<16xi32>
      %eq3A_2 = arith.constant 0 : i32
      %eq3A_3 = vector.broadcast %eq3A_2 : i32 to vector<16xi32>
      %eq3A_4 = arith.cmpi eq, %iota3A, %eq3A_3 : vector<16xi32>
      %eq3A_5 = arith.constant 1 : i32
      %eq3A_6 = vector.broadcast %eq3A_5 : i32 to vector<16xi32>
      %eq3A_7 = arith.cmpi eq, %iota3A, %eq3A_6 : vector<16xi32>
      %eq3A_8 = arith.constant 2 : i32
      %eq3A_9 = vector.broadcast %eq3A_8 : i32 to vector<16xi32>
      %eq3A_10 = arith.cmpi eq, %iota3A, %eq3A_9 : vector<16xi32>
      %or3A = arith.ori %eq3A_7, %eq3A_10 : vector<16xi1>
      %jit3A = arith.constant 8191 : i32
      %jit3A_11 = arith.constant 0 : i32
      %broadcast_in_dim3A = vector.broadcast %jit3A : i32 to vector<16xi32>
      %broadcast_in_dim3A_12 = vector.broadcast %jit3A_11 : i32 to vector<16xi32>
      %select_n3A = arith.select %or3A, %broadcast_in_dim3A, %broadcast_in_dim3A_12 : vector<16xi1>, vector<16xi32>
      %jit3A_13 = arith.constant 34 : i32
      %broadcast_in_dim3A_14 = vector.broadcast %jit3A_13 : i32 to vector<16xi32>
      %select_n3A_15 = arith.select %eq3A_4, %broadcast_in_dim3A_14, %select_n3A : vector<16xi1>, vector<16xi32>
      %get3A = arith.constant 0 : index
      %get3A_16 = tpu.vector_load %arg4[%get3A] {strides = array<i32>} : memref<16xi32, #tpu.memory_space<vmem>>, vector<16xi32>,
      %get3A_17 = vector.shape_cast %get3A_16 : vector<16xi32> to vector<16xi32>
      %jit3A_18 = arith.constant 0 : i32
      %max3A = vector.broadcast %jit3A_18 : i32 to vector<16xi32>
      %max3A_19 = arith.maxsi %max3A, %get3A_17 : vector<16xi32>
      %min3A = arith.minsi %select_n3A_15, %max3A_19 : vector<16xi32>
      %swap3A = arith.constant 0 : index
      %swap3A_20 = tpu.vector_load %arg5[%swap3A] {strides = array<i32>} : memref<16xi32, #tpu.memory_space<vmem>>, vector<16xi32>,
      %swap3A_21 = vector.shape_cast %swap3A_20 : vector<16xi32> to vector<16xi32>
      %swap3A_22 = vector.shape_cast %min3A : vector<16xi32> to vector<16xi32>
      tpu.vector_store %arg5[%swap3A], %swap3A_22 {strides = array<i32>} : memref<16xi32, #tpu.memory_space<vmem>>, vector<16xi32>,
      "tpu.region"() ({
        %run_scoped3A = tpu.sem_alloc : memref<!tpu.dma_semaphore, #tpu.memory_space<semaphore_mem>>
        tpu.enqueue_dma source(%arg5 : memref<16xi32, #tpu.memory_space<vmem>>) target(%arg3 : memref<16xi32, #tpu.memory_space<hbm>>) target_semaphore(%run_scoped3A : memref<!tpu.dma_semaphore, #tpu.memory_space<semaphore_mem>>)
        tpu.wait_dma2 semaphore(%run_scoped3A : memref<!tpu.dma_semaphore, #tpu.memory_space<semaphore_mem>>) src(%arg5 : memref<16xi32, #tpu.memory_space<vmem>>) dst(%arg3 : memref<16xi32, #tpu.memory_space<hbm>>)
        tpu.yield
      }) : () -> ()
    } else {
    }
    return
  }
}

module attributes {stable_mosaic.version = 14 : i64} {
  func.func @_mask_body(%arg0: memref<16xi32, #tpu.memory_space<smem>>, %arg1: memref<8192x8192xi8, #tpu.memory_space<any>>, %arg2: memref<64x8192xi8, #tpu.memory_space<vmem>>, %arg3: memref<8x128xi8, #tpu.memory_space<vmem>>, %arg4: memref<!tpu.dma_semaphore, #tpu.memory_space<semaphore_mem>>) attributes {dimension_semantics = [], scalar_prefetch = 0 : i64, scratch_operands = 3 : i64, tpu.core_type = #tpu.core_type<tc>} {
    %get3A = arith.constant 1 : index
    %get3A_0 = memref.load %arg0[%get3A] : memref<16xi32, #tpu.memory_space<smem>>
    %jit3A = arith.constant 0 : i32
    %jit3A_1 = arith.constant 8191 : i32
    %max3A = arith.maxsi %jit3A, %get3A_0 : i32
    %min3A = arith.minsi %jit3A_1, %max3A : i32
    %get3A_2 = arith.constant 2 : index
    %get3A_3 = memref.load %arg0[%get3A_2] : memref<16xi32, #tpu.memory_space<smem>>
    %jit3A_4 = arith.constant 0 : i32
    %jit3A_5 = arith.constant 8191 : i32
    %max3A_6 = arith.maxsi %jit3A_4, %get3A_3 : i32
    %min3A_7 = arith.minsi %jit3A_5, %max3A_6 : i32
    %jit3A_8 = arith.constant 8 : i32
    %eq3A = arith.constant 0 : i32
    %eq3A_9 = arith.cmpi eq, %jit3A_8, %eq3A : i32
    %jit3A_10 = arith.constant 1 : i32
    %select_n3A = arith.select %eq3A_9, %jit3A_10, %jit3A_8 : i32
    %rem3A = arith.remsi %min3A, %select_n3A : i32
    %ne3A = arith.constant 0 : i32
    %ne3A_11 = arith.cmpi ne, %rem3A, %ne3A : i32
    %lt3A = arith.constant 0 : i32
    %lt3A_12 = arith.cmpi slt, %rem3A, %lt3A : i32
    %lt3A_13 = arith.constant 0 : i32
    %lt3A_14 = arith.cmpi slt, %select_n3A, %lt3A_13 : i32
    %ne3A_15 = arith.xori %lt3A_12, %lt3A_14 : i1
    %and3A = arith.andi %ne3A_15, %ne3A_11 : i1
    %add3A = arith.addi %rem3A, %select_n3A : i32
    %select_n3A_16 = arith.select %and3A, %add3A, %rem3A : i32
    %jit3A_17 = arith.constant 128 : i32
    %eq3A_18 = arith.constant 0 : i32
    %eq3A_19 = arith.cmpi eq, %jit3A_17, %eq3A_18 : i32
    %jit3A_20 = arith.constant 1 : i32
    %select_n3A_21 = arith.select %eq3A_19, %jit3A_20, %jit3A_17 : i32
    %rem3A_22 = arith.remsi %min3A_7, %select_n3A_21 : i32
    %ne3A_23 = arith.constant 0 : i32
    %ne3A_24 = arith.cmpi ne, %rem3A_22, %ne3A_23 : i32
    %lt3A_25 = arith.constant 0 : i32
    %lt3A_26 = arith.cmpi slt, %rem3A_22, %lt3A_25 : i32
    %lt3A_27 = arith.constant 0 : i32
    %lt3A_28 = arith.cmpi slt, %select_n3A_21, %lt3A_27 : i32
    %ne3A_29 = arith.xori %lt3A_26, %lt3A_28 : i1
    %and3A_30 = arith.andi %ne3A_29, %ne3A_24 : i1
    %add3A_31 = arith.addi %rem3A_22, %select_n3A_21 : i32
    %select_n3A_32 = arith.select %and3A_30, %add3A_31, %rem3A_22 : i32
    %jit3A_33 = arith.constant 8 : i32
    %div3A = arith.divsi %min3A, %jit3A_33 : i32
    %sign3A = arith.constant 0 : i32
    %sign3A_34 = arith.cmpi sgt, %min3A, %sign3A : i32
    %sign3A_35 = arith.extui %sign3A_34 : i1 to i32
    %sign3A_36 = arith.constant 0 : i32
    %sign3A_37 = arith.cmpi slt, %min3A, %sign3A_36 : i32
    %sign3A_38 = arith.extui %sign3A_37 : i1 to i32
    %sign3A_39 = arith.subi %sign3A_35, %sign3A_38 : i32
    %sign3A_40 = arith.constant 0 : i32
    %sign3A_41 = arith.cmpi sgt, %jit3A_33, %sign3A_40 : i32
    %sign3A_42 = arith.extui %sign3A_41 : i1 to i32
    %sign3A_43 = arith.constant 0 : i32
    %sign3A_44 = arith.cmpi slt, %jit3A_33, %sign3A_43 : i32
    %sign3A_45 = arith.extui %sign3A_44 : i1 to i32
    %sign3A_46 = arith.subi %sign3A_42, %sign3A_45 : i32
    %ne3A_47 = arith.cmpi ne, %sign3A_39, %sign3A_46 : i32
    %rem3A_48 = arith.remsi %min3A, %jit3A_33 : i32
    %ne3A_49 = arith.constant 0 : i32
    %ne3A_50 = arith.cmpi ne, %rem3A_48, %ne3A_49 : i32
    %and3A_51 = arith.andi %ne3A_47, %ne3A_50 : i1
    %sub3A = arith.constant 1 : i32
    %sub3A_52 = arith.subi %div3A, %sub3A : i32
    %select_n3A_53 = arith.select %and3A_51, %sub3A_52, %div3A : i32
    %mul3A = arith.constant 8 : i32
    %mul3A_54 = arith.muli %select_n3A_53, %mul3A : i32
    %multiple_of3A = tpu.assume_multiple %mul3A_54, 8 : i32
    %jit3A_55 = arith.constant 128 : i32
    %div3A_56 = arith.divsi %min3A_7, %jit3A_55 : i32
    %sign3A_57 = arith.constant 0 : i32
    %sign3A_58 = arith.cmpi sgt, %min3A_7, %sign3A_57 : i32
    %sign3A_59 = arith.extui %sign3A_58 : i1 to i32
    %sign3A_60 = arith.constant 0 : i32
    %sign3A_61 = arith.cmpi slt, %min3A_7, %sign3A_60 : i32
    %sign3A_62 = arith.extui %sign3A_61 : i1 to i32
    %sign3A_63 = arith.subi %sign3A_59, %sign3A_62 : i32
    %sign3A_64 = arith.constant 0 : i32
    %sign3A_65 = arith.cmpi sgt, %jit3A_55, %sign3A_64 : i32
    %sign3A_66 = arith.extui %sign3A_65 : i1 to i32
    %sign3A_67 = arith.constant 0 : i32
    %sign3A_68 = arith.cmpi slt, %jit3A_55, %sign3A_67 : i32
    %sign3A_69 = arith.extui %sign3A_68 : i1 to i32
    %sign3A_70 = arith.subi %sign3A_66, %sign3A_69 : i32
    %ne3A_71 = arith.cmpi ne, %sign3A_63, %sign3A_70 : i32
    %rem3A_72 = arith.remsi %min3A_7, %jit3A_55 : i32
    %ne3A_73 = arith.constant 0 : i32
    %ne3A_74 = arith.cmpi ne, %rem3A_72, %ne3A_73 : i32
    %and3A_75 = arith.andi %ne3A_71, %ne3A_74 : i1
    %sub3A_76 = arith.constant 1 : i32
    %sub3A_77 = arith.subi %div3A_56, %sub3A_76 : i32
    %select_n3A_78 = arith.select %and3A_75, %sub3A_77, %div3A_56 : i32
    %mul3A_79 = arith.constant 128 : i32
    %mul3A_80 = arith.muli %select_n3A_78, %mul3A_79 : i32
    %multiple_of3A_81 = tpu.assume_multiple %mul3A_80, 128 : i32
    %broadcast_in_dim3A = arith.constant 0 : i8
    %broadcast_in_dim3A_82 = vector.broadcast %broadcast_in_dim3A : i8 to vector<64x8192xi8>
    %swap3A = arith.constant 0 : index
    %swap3A_83 = arith.constant 0 : index
    %swap3A_84 = vector.load %arg2[%swap3A, %swap3A_83] : memref<64x8192xi8, #tpu.memory_space<vmem>>, vector<64x8192xi8>
    tpu.vector_store %arg2[%swap3A, %swap3A_83], %broadcast_in_dim3A_82 {strides = array<i32>} : memref<64x8192xi8, #tpu.memory_space<vmem>>, vector<64x8192xi8>,
    %iota3A = tpu.iota {dimensions = array<i32: 0>} : vector<8x128xi32>
    %iota3A_85 = tpu.iota {dimensions = array<i32: 1>} : vector<8x128xi32>
    %eq3A_86 = vector.broadcast %select_n3A_16 : i32 to vector<8x128xi32>
    %eq3A_87 = arith.cmpi eq, %iota3A, %eq3A_86 : vector<8x128xi32>
    %eq3A_88 = vector.broadcast %select_n3A_32 : i32 to vector<8x128xi32>
    %eq3A_89 = arith.cmpi eq, %iota3A_85, %eq3A_88 : vector<8x128xi32>
    %and3A_90 = arith.andi %eq3A_87, %eq3A_89 : vector<8x128xi1>
    %convert_element_type3A = arith.extui %and3A_90 : vector<8x128xi1> to vector<8x128xi8>
    %swap3A_91 = arith.constant 0 : index
    %swap3A_92 = arith.constant 0 : index
    %swap3A_93 = vector.load %arg3[%swap3A_91, %swap3A_92] : memref<8x128xi8, #tpu.memory_space<vmem>>, vector<8x128xi8>
    tpu.vector_store %arg3[%swap3A_91, %swap3A_92], %convert_element_type3A {strides = array<i32>} : memref<8x128xi8, #tpu.memory_space<vmem>>, vector<8x128xi8>,
    %dma_start3A = arith.constant 0 : i32
    %dma_start3A_94 = arith.constant 0 : i32
    %dma_start3A_95 = tpu.memref_slice %arg1[%dma_start3A, %dma_start3A_94] : memref<8192x8192xi8, #tpu.memory_space<any>> -> memref<64x8192xi8, #tpu.memory_space<any>>
    tpu.enqueue_dma source(%arg2 : memref<64x8192xi8, #tpu.memory_space<vmem>>) target(%dma_start3A_95 : memref<64x8192xi8, #tpu.memory_space<any>>) target_semaphore(%arg4 : memref<!tpu.dma_semaphore, #tpu.memory_space<semaphore_mem>>)
    %dma_start3A_96 = arith.constant 64 : i32
    %dma_start3A_97 = arith.constant 0 : i32
    %dma_start3A_98 = tpu.memref_slice %arg1[%dma_start3A_96, %dma_start3A_97] : memref<8192x8192xi8, #tpu.memory_space<any>> -> memref<64x8192xi8, #tpu.memory_space<any>>
    tpu.enqueue_dma source(%arg2 : memref<64x8192xi8, #tpu.memory_space<vmem>>) target(%dma_start3A_98 : memref<64x8192xi8, #tpu.memory_space<any>>) target_semaphore(%arg4 : memref<!tpu.dma_semaphore, #tpu.memory_space<semaphore_mem>>)
    %dma_start3A_99 = arith.constant 128 : i32
    %dma_start3A_100 = arith.constant 0 : i32
    %dma_start3A_101 = tpu.memref_slice %arg1[%dma_start3A_99, %dma_start3A_100] : memref<8192x8192xi8, #tpu.memory_space<any>> -> memref<64x8192xi8, #tpu.memory_space<any>>
    tpu.enqueue_dma source(%arg2 : memref<64x8192xi8, #tpu.memory_space<vmem>>) target(%dma_start3A_101 : memref<64x8192xi8, #tpu.memory_space<any>>) target_semaphore(%arg4 : memref<!tpu.dma_semaphore, #tpu.memory_space<semaphore_mem>>)
    %dma_start3A_102 = arith.constant 192 : i32
    %dma_start3A_103 = arith.constant 0 : i32
    %dma_start3A_104 = tpu.memref_slice %arg1[%dma_start3A_102, %dma_start3A_103] : memref<8192x8192xi8, #tpu.memory_space<any>> -> memref<64x8192xi8, #tpu.memory_space<any>>
    tpu.enqueue_dma source(%arg2 : memref<64x8192xi8, #tpu.memory_space<vmem>>) target(%dma_start3A_104 : memref<64x8192xi8, #tpu.memory_space<any>>) target_semaphore(%arg4 : memref<!tpu.dma_semaphore, #tpu.memory_space<semaphore_mem>>)
    %dma_start3A_105 = arith.constant 256 : i32
    %dma_start3A_106 = arith.constant 0 : i32
    %dma_start3A_107 = tpu.memref_slice %arg1[%dma_start3A_105, %dma_start3A_106] : memref<8192x8192xi8, #tpu.memory_space<any>> -> memref<64x8192xi8, #tpu.memory_space<any>>
    tpu.enqueue_dma source(%arg2 : memref<64x8192xi8, #tpu.memory_space<vmem>>) target(%dma_start3A_107 : memref<64x8192xi8, #tpu.memory_space<any>>) target_semaphore(%arg4 : memref<!tpu.dma_semaphore, #tpu.memory_space<semaphore_mem>>)
    %dma_start3A_108 = arith.constant 320 : i32
    %dma_start3A_109 = arith.constant 0 : i32
    %dma_start3A_110 = tpu.memref_slice %arg1[%dma_start3A_108, %dma_start3A_109] : memref<8192x8192xi8, #tpu.memory_space<any>> -> memref<64x8192xi8, #tpu.memory_space<any>>
    tpu.enqueue_dma source(%arg2 : memref<64x8192xi8, #tpu.memory_space<vmem>>) target(%dma_start3A_110 : memref<64x8192xi8, #tpu.memory_space<any>>) target_semaphore(%arg4 : memref<!tpu.dma_semaphore, #tpu.memory_space<semaphore_mem>>)
    %dma_start3A_111 = arith.constant 384 : i32
    %dma_start3A_112 = arith.constant 0 : i32
    %dma_start3A_113 = tpu.memref_slice %arg1[%dma_start3A_111, %dma_start3A_112] : memref<8192x8192xi8, #tpu.memory_space<any>> -> memref<64x8192xi8, #tpu.memory_space<any>>
    tpu.enqueue_dma source(%arg2 : memref<64x8192xi8, #tpu.memory_space<vmem>>) target(%dma_start3A_113 : memref<64x8192xi8, #tpu.memory_space<any>>) target_semaphore(%arg4 : memref<!tpu.dma_semaphore, #tpu.memory_space<semaphore_mem>>)
    %dma_start3A_114 = arith.constant 448 : i32
    %dma_start3A_115 = arith.constant 0 : i32
    %dma_start3A_116 = tpu.memref_slice %arg1[%dma_start3A_114, %dma_start3A_115] : memref<8192x8192xi8, #tpu.memory_space<any>> -> memref<64x8192xi8, #tpu.memory_space<any>>
    tpu.enqueue_dma source(%arg2 : memref<64x8192xi8, #tpu.memory_space<vmem>>) target(%dma_start3A_116 : memref<64x8192xi8, #tpu.memory_space<any>>) target_semaphore(%arg4 : memref<!tpu.dma_semaphore, #tpu.memory_space<semaphore_mem>>)
    %dma_start3A_117 = arith.constant 512 : i32
    %dma_start3A_118 = arith.constant 0 : i32
    %dma_start3A_119 = tpu.memref_slice %arg1[%dma_start3A_117, %dma_start3A_118] : memref<8192x8192xi8, #tpu.memory_space<any>> -> memref<64x8192xi8, #tpu.memory_space<any>>
    tpu.enqueue_dma source(%arg2 : memref<64x8192xi8, #tpu.memory_space<vmem>>) target(%dma_start3A_119 : memref<64x8192xi8, #tpu.memory_space<any>>) target_semaphore(%arg4 : memref<!tpu.dma_semaphore, #tpu.memory_space<semaphore_mem>>)
    %dma_start3A_120 = arith.constant 576 : i32
    %dma_start3A_121 = arith.constant 0 : i32
    %dma_start3A_122 = tpu.memref_slice %arg1[%dma_start3A_120, %dma_start3A_121] : memref<8192x8192xi8, #tpu.memory_space<any>> -> memref<64x8192xi8, #tpu.memory_space<any>>
    tpu.enqueue_dma source(%arg2 : memref<64x8192xi8, #tpu.memory_space<vmem>>) target(%dma_start3A_122 : memref<64x8192xi8, #tpu.memory_space<any>>) target_semaphore(%arg4 : memref<!tpu.dma_semaphore, #tpu.memory_space<semaphore_mem>>)
    %dma_start3A_123 = arith.constant 640 : i32
    %dma_start3A_124 = arith.constant 0 : i32
    %dma_start3A_125 = tpu.memref_slice %arg1[%dma_start3A_123, %dma_start3A_124] : memref<8192x8192xi8, #tpu.memory_space<any>> -> memref<64x8192xi8, #tpu.memory_space<any>>
    tpu.enqueue_dma source(%arg2 : memref<64x8192xi8, #tpu.memory_space<vmem>>) target(%dma_start3A_125 : memref<64x8192xi8, #tpu.memory_space<any>>) target_semaphore(%arg4 : memref<!tpu.dma_semaphore, #tpu.memory_space<semaphore_mem>>)
    %dma_start3A_126 = arith.constant 704 : i32
    %dma_start3A_127 = arith.constant 0 : i32
    %dma_start3A_128 = tpu.memref_slice %arg1[%dma_start3A_126, %dma_start3A_127] : memref<8192x8192xi8, #tpu.memory_space<any>> -> memref<64x8192xi8, #tpu.memory_space<any>>
    tpu.enqueue_dma source(%arg2 : memref<64x8192xi8, #tpu.memory_space<vmem>>) target(%dma_start3A_128 : memref<64x8192xi8, #tpu.memory_space<any>>) target_semaphore(%arg4 : memref<!tpu.dma_semaphore, #tpu.memory_space<semaphore_mem>>)
    %dma_start3A_129 = arith.constant 768 : i32
    %dma_start3A_130 = arith.constant 0 : i32
    %dma_start3A_131 = tpu.memref_slice %arg1[%dma_start3A_129, %dma_start3A_130] : memref<8192x8192xi8, #tpu.memory_space<any>> -> memref<64x8192xi8, #tpu.memory_space<any>>
    tpu.enqueue_dma source(%arg2 : memref<64x8192xi8, #tpu.memory_space<vmem>>) target(%dma_start3A_131 : memref<64x8192xi8, #tpu.memory_space<any>>) target_semaphore(%arg4 : memref<!tpu.dma_semaphore, #tpu.memory_space<semaphore_mem>>)
    %dma_start3A_132 = arith.constant 832 : i32
    %dma_start3A_133 = arith.constant 0 : i32
    %dma_start3A_134 = tpu.memref_slice %arg1[%dma_start3A_132, %dma_start3A_133] : memref<8192x8192xi8, #tpu.memory_space<any>> -> memref<64x8192xi8, #tpu.memory_space<any>>
    tpu.enqueue_dma source(%arg2 : memref<64x8192xi8, #tpu.memory_space<vmem>>) target(%dma_start3A_134 : memref<64x8192xi8, #tpu.memory_space<any>>) target_semaphore(%arg4 : memref<!tpu.dma_semaphore, #tpu.memory_space<semaphore_mem>>)
    %dma_start3A_135 = arith.constant 896 : i32
    %dma_start3A_136 = arith.constant 0 : i32
    %dma_start3A_137 = tpu.memref_slice %arg1[%dma_start3A_135, %dma_start3A_136] : memref<8192x8192xi8, #tpu.memory_space<any>> -> memref<64x8192xi8, #tpu.memory_space<any>>
    tpu.enqueue_dma source(%arg2 : memref<64x8192xi8, #tpu.memory_space<vmem>>) target(%dma_start3A_137 : memref<64x8192xi8, #tpu.memory_space<any>>) target_semaphore(%arg4 : memref<!tpu.dma_semaphore, #tpu.memory_space<semaphore_mem>>)
    %dma_start3A_138 = arith.constant 960 : i32
    %dma_start3A_139 = arith.constant 0 : i32
    %dma_start3A_140 = tpu.memref_slice %arg1[%dma_start3A_138, %dma_start3A_139] : memref<8192x8192xi8, #tpu.memory_space<any>> -> memref<64x8192xi8, #tpu.memory_space<any>>
    tpu.enqueue_dma source(%arg2 : memref<64x8192xi8, #tpu.memory_space<vmem>>) target(%dma_start3A_140 : memref<64x8192xi8, #tpu.memory_space<any>>) target_semaphore(%arg4 : memref<!tpu.dma_semaphore, #tpu.memory_space<semaphore_mem>>)
    %dma_start3A_141 = arith.constant 1024 : i32
    %dma_start3A_142 = arith.constant 0 : i32
    %dma_start3A_143 = tpu.memref_slice %arg1[%dma_start3A_141, %dma_start3A_142] : memref<8192x8192xi8, #tpu.memory_space<any>> -> memref<64x8192xi8, #tpu.memory_space<any>>
    tpu.enqueue_dma source(%arg2 : memref<64x8192xi8, #tpu.memory_space<vmem>>) target(%dma_start3A_143 : memref<64x8192xi8, #tpu.memory_space<any>>) target_semaphore(%arg4 : memref<!tpu.dma_semaphore, #tpu.memory_space<semaphore_mem>>)
    %dma_start3A_144 = arith.constant 1088 : i32
    %dma_start3A_145 = arith.constant 0 : i32
    %dma_start3A_146 = tpu.memref_slice %arg1[%dma_start3A_144, %dma_start3A_145] : memref<8192x8192xi8, #tpu.memory_space<any>> -> memref<64x8192xi8, #tpu.memory_space<any>>
    tpu.enqueue_dma source(%arg2 : memref<64x8192xi8, #tpu.memory_space<vmem>>) target(%dma_start3A_146 : memref<64x8192xi8, #tpu.memory_space<any>>) target_semaphore(%arg4 : memref<!tpu.dma_semaphore, #tpu.memory_space<semaphore_mem>>)
    %dma_start3A_147 = arith.constant 1152 : i32
    %dma_start3A_148 = arith.constant 0 : i32
    %dma_start3A_149 = tpu.memref_slice %arg1[%dma_start3A_147, %dma_start3A_148] : memref<8192x8192xi8, #tpu.memory_space<any>> -> memref<64x8192xi8, #tpu.memory_space<any>>
    tpu.enqueue_dma source(%arg2 : memref<64x8192xi8, #tpu.memory_space<vmem>>) target(%dma_start3A_149 : memref<64x8192xi8, #tpu.memory_space<any>>) target_semaphore(%arg4 : memref<!tpu.dma_semaphore, #tpu.memory_space<semaphore_mem>>)
    %dma_start3A_150 = arith.constant 1216 : i32
    %dma_start3A_151 = arith.constant 0 : i32
    %dma_start3A_152 = tpu.memref_slice %arg1[%dma_start3A_150, %dma_start3A_151] : memref<8192x8192xi8, #tpu.memory_space<any>> -> memref<64x8192xi8, #tpu.memory_space<any>>
    tpu.enqueue_dma source(%arg2 : memref<64x8192xi8, #tpu.memory_space<vmem>>) target(%dma_start3A_152 : memref<64x8192xi8, #tpu.memory_space<any>>) target_semaphore(%arg4 : memref<!tpu.dma_semaphore, #tpu.memory_space<semaphore_mem>>)
    %dma_start3A_153 = arith.constant 1280 : i32
    %dma_start3A_154 = arith.constant 0 : i32
    %dma_start3A_155 = tpu.memref_slice %arg1[%dma_start3A_153, %dma_start3A_154] : memref<8192x8192xi8, #tpu.memory_space<any>> -> memref<64x8192xi8, #tpu.memory_space<any>>
    tpu.enqueue_dma source(%arg2 : memref<64x8192xi8, #tpu.memory_space<vmem>>) target(%dma_start3A_155 : memref<64x8192xi8, #tpu.memory_space<any>>) target_semaphore(%arg4 : memref<!tpu.dma_semaphore, #tpu.memory_space<semaphore_mem>>)
    %dma_start3A_156 = arith.constant 1344 : i32
    %dma_start3A_157 = arith.constant 0 : i32
    %dma_start3A_158 = tpu.memref_slice %arg1[%dma_start3A_156, %dma_start3A_157] : memref<8192x8192xi8, #tpu.memory_space<any>> -> memref<64x8192xi8, #tpu.memory_space<any>>
    tpu.enqueue_dma source(%arg2 : memref<64x8192xi8, #tpu.memory_space<vmem>>) target(%dma_start3A_158 : memref<64x8192xi8, #tpu.memory_space<any>>) target_semaphore(%arg4 : memref<!tpu.dma_semaphore, #tpu.memory_space<semaphore_mem>>)
    %dma_start3A_159 = arith.constant 1408 : i32
    %dma_start3A_160 = arith.constant 0 : i32
    %dma_start3A_161 = tpu.memref_slice %arg1[%dma_start3A_159, %dma_start3A_160] : memref<8192x8192xi8, #tpu.memory_space<any>> -> memref<64x8192xi8, #tpu.memory_space<any>>
    tpu.enqueue_dma source(%arg2 : memref<64x8192xi8, #tpu.memory_space<vmem>>) target(%dma_start3A_161 : memref<64x8192xi8, #tpu.memory_space<any>>) target_semaphore(%arg4 : memref<!tpu.dma_semaphore, #tpu.memory_space<semaphore_mem>>)
    %dma_start3A_162 = arith.constant 1472 : i32
    %dma_start3A_163 = arith.constant 0 : i32
    %dma_start3A_164 = tpu.memref_slice %arg1[%dma_start3A_162, %dma_start3A_163] : memref<8192x8192xi8, #tpu.memory_space<any>> -> memref<64x8192xi8, #tpu.memory_space<any>>
    tpu.enqueue_dma source(%arg2 : memref<64x8192xi8, #tpu.memory_space<vmem>>) target(%dma_start3A_164 : memref<64x8192xi8, #tpu.memory_space<any>>) target_semaphore(%arg4 : memref<!tpu.dma_semaphore, #tpu.memory_space<semaphore_mem>>)
    %dma_start3A_165 = arith.constant 1536 : i32
    %dma_start3A_166 = arith.constant 0 : i32
    %dma_start3A_167 = tpu.memref_slice %arg1[%dma_start3A_165, %dma_start3A_166] : memref<8192x8192xi8, #tpu.memory_space<any>> -> memref<64x8192xi8, #tpu.memory_space<any>>
    tpu.enqueue_dma source(%arg2 : memref<64x8192xi8, #tpu.memory_space<vmem>>) target(%dma_start3A_167 : memref<64x8192xi8, #tpu.memory_space<any>>) target_semaphore(%arg4 : memref<!tpu.dma_semaphore, #tpu.memory_space<semaphore_mem>>)
    %dma_start3A_168 = arith.constant 1600 : i32
    %dma_start3A_169 = arith.constant 0 : i32
    %dma_start3A_170 = tpu.memref_slice %arg1[%dma_start3A_168, %dma_start3A_169] : memref<8192x8192xi8, #tpu.memory_space<any>> -> memref<64x8192xi8, #tpu.memory_space<any>>
    tpu.enqueue_dma source(%arg2 : memref<64x8192xi8, #tpu.memory_space<vmem>>) target(%dma_start3A_170 : memref<64x8192xi8, #tpu.memory_space<any>>) target_semaphore(%arg4 : memref<!tpu.dma_semaphore, #tpu.memory_space<semaphore_mem>>)
    %dma_start3A_171 = arith.constant 1664 : i32
    %dma_start3A_172 = arith.constant 0 : i32
    %dma_start3A_173 = tpu.memref_slice %arg1[%dma_start3A_171, %dma_start3A_172] : memref<8192x8192xi8, #tpu.memory_space<any>> -> memref<64x8192xi8, #tpu.memory_space<any>>
    tpu.enqueue_dma source(%arg2 : memref<64x8192xi8, #tpu.memory_space<vmem>>) target(%dma_start3A_173 : memref<64x8192xi8, #tpu.memory_space<any>>) target_semaphore(%arg4 : memref<!tpu.dma_semaphore, #tpu.memory_space<semaphore_mem>>)
    %dma_start3A_174 = arith.constant 1728 : i32
    %dma_start3A_175 = arith.constant 0 : i32
    %dma_start3A_176 = tpu.memref_slice %arg1[%dma_start3A_174, %dma_start3A_175] : memref<8192x8192xi8, #tpu.memory_space<any>> -> memref<64x8192xi8, #tpu.memory_space<any>>
    tpu.enqueue_dma source(%arg2 : memref<64x8192xi8, #tpu.memory_space<vmem>>) target(%dma_start3A_176 : memref<64x8192xi8, #tpu.memory_space<any>>) target_semaphore(%arg4 : memref<!tpu.dma_semaphore, #tpu.memory_space<semaphore_mem>>)
    %dma_start3A_177 = arith.constant 1792 : i32
    %dma_start3A_178 = arith.constant 0 : i32
    %dma_start3A_179 = tpu.memref_slice %arg1[%dma_start3A_177, %dma_start3A_178] : memref<8192x8192xi8, #tpu.memory_space<any>> -> memref<64x8192xi8, #tpu.memory_space<any>>
    tpu.enqueue_dma source(%arg2 : memref<64x8192xi8, #tpu.memory_space<vmem>>) target(%dma_start3A_179 : memref<64x8192xi8, #tpu.memory_space<any>>) target_semaphore(%arg4 : memref<!tpu.dma_semaphore, #tpu.memory_space<semaphore_mem>>)
    %dma_start3A_180 = arith.constant 1856 : i32
    %dma_start3A_181 = arith.constant 0 : i32
    %dma_start3A_182 = tpu.memref_slice %arg1[%dma_start3A_180, %dma_start3A_181] : memref<8192x8192xi8, #tpu.memory_space<any>> -> memref<64x8192xi8, #tpu.memory_space<any>>
    tpu.enqueue_dma source(%arg2 : memref<64x8192xi8, #tpu.memory_space<vmem>>) target(%dma_start3A_182 : memref<64x8192xi8, #tpu.memory_space<any>>) target_semaphore(%arg4 : memref<!tpu.dma_semaphore, #tpu.memory_space<semaphore_mem>>)
    %dma_start3A_183 = arith.constant 1920 : i32
    %dma_start3A_184 = arith.constant 0 : i32
    %dma_start3A_185 = tpu.memref_slice %arg1[%dma_start3A_183, %dma_start3A_184] : memref<8192x8192xi8, #tpu.memory_space<any>> -> memref<64x8192xi8, #tpu.memory_space<any>>
    tpu.enqueue_dma source(%arg2 : memref<64x8192xi8, #tpu.memory_space<vmem>>) target(%dma_start3A_185 : memref<64x8192xi8, #tpu.memory_space<any>>) target_semaphore(%arg4 : memref<!tpu.dma_semaphore, #tpu.memory_space<semaphore_mem>>)
    %dma_start3A_186 = arith.constant 1984 : i32
    %dma_start3A_187 = arith.constant 0 : i32
    %dma_start3A_188 = tpu.memref_slice %arg1[%dma_start3A_186, %dma_start3A_187] : memref<8192x8192xi8, #tpu.memory_space<any>> -> memref<64x8192xi8, #tpu.memory_space<any>>
    tpu.enqueue_dma source(%arg2 : memref<64x8192xi8, #tpu.memory_space<vmem>>) target(%dma_start3A_188 : memref<64x8192xi8, #tpu.memory_space<any>>) target_semaphore(%arg4 : memref<!tpu.dma_semaphore, #tpu.memory_space<semaphore_mem>>)
    %dma_start3A_189 = arith.constant 2048 : i32
    %dma_start3A_190 = arith.constant 0 : i32
    %dma_start3A_191 = tpu.memref_slice %arg1[%dma_start3A_189, %dma_start3A_190] : memref<8192x8192xi8, #tpu.memory_space<any>> -> memref<64x8192xi8, #tpu.memory_space<any>>
    tpu.enqueue_dma source(%arg2 : memref<64x8192xi8, #tpu.memory_space<vmem>>) target(%dma_start3A_191 : memref<64x8192xi8, #tpu.memory_space<any>>) target_semaphore(%arg4 : memref<!tpu.dma_semaphore, #tpu.memory_space<semaphore_mem>>)
    %dma_start3A_192 = arith.constant 2112 : i32
    %dma_start3A_193 = arith.constant 0 : i32
    %dma_start3A_194 = tpu.memref_slice %arg1[%dma_start3A_192, %dma_start3A_193] : memref<8192x8192xi8, #tpu.memory_space<any>> -> memref<64x8192xi8, #tpu.memory_space<any>>
    tpu.enqueue_dma source(%arg2 : memref<64x8192xi8, #tpu.memory_space<vmem>>) target(%dma_start3A_194 : memref<64x8192xi8, #tpu.memory_space<any>>) target_semaphore(%arg4 : memref<!tpu.dma_semaphore, #tpu.memory_space<semaphore_mem>>)
    %dma_start3A_195 = arith.constant 2176 : i32
    %dma_start3A_196 = arith.constant 0 : i32
    %dma_start3A_197 = tpu.memref_slice %arg1[%dma_start3A_195, %dma_start3A_196] : memref<8192x8192xi8, #tpu.memory_space<any>> -> memref<64x8192xi8, #tpu.memory_space<any>>
    tpu.enqueue_dma source(%arg2 : memref<64x8192xi8, #tpu.memory_space<vmem>>) target(%dma_start3A_197 : memref<64x8192xi8, #tpu.memory_space<any>>) target_semaphore(%arg4 : memref<!tpu.dma_semaphore, #tpu.memory_space<semaphore_mem>>)
    %dma_start3A_198 = arith.constant 2240 : i32
    %dma_start3A_199 = arith.constant 0 : i32
    %dma_start3A_200 = tpu.memref_slice %arg1[%dma_start3A_198, %dma_start3A_199] : memref<8192x8192xi8, #tpu.memory_space<any>> -> memref<64x8192xi8, #tpu.memory_space<any>>
    tpu.enqueue_dma source(%arg2 : memref<64x8192xi8, #tpu.memory_space<vmem>>) target(%dma_start3A_200 : memref<64x8192xi8, #tpu.memory_space<any>>) target_semaphore(%arg4 : memref<!tpu.dma_semaphore, #tpu.memory_space<semaphore_mem>>)
    %dma_start3A_201 = arith.constant 2304 : i32
    %dma_start3A_202 = arith.constant 0 : i32
    %dma_start3A_203 = tpu.memref_slice %arg1[%dma_start3A_201, %dma_start3A_202] : memref<8192x8192xi8, #tpu.memory_space<any>> -> memref<64x8192xi8, #tpu.memory_space<any>>
    tpu.enqueue_dma source(%arg2 : memref<64x8192xi8, #tpu.memory_space<vmem>>) target(%dma_start3A_203 : memref<64x8192xi8, #tpu.memory_space<any>>) target_semaphore(%arg4 : memref<!tpu.dma_semaphore, #tpu.memory_space<semaphore_mem>>)
    %dma_start3A_204 = arith.constant 2368 : i32
    %dma_start3A_205 = arith.constant 0 : i32
    %dma_start3A_206 = tpu.memref_slice %arg1[%dma_start3A_204, %dma_start3A_205] : memref<8192x8192xi8, #tpu.memory_space<any>> -> memref<64x8192xi8, #tpu.memory_space<any>>
    tpu.enqueue_dma source(%arg2 : memref<64x8192xi8, #tpu.memory_space<vmem>>) target(%dma_start3A_206 : memref<64x8192xi8, #tpu.memory_space<any>>) target_semaphore(%arg4 : memref<!tpu.dma_semaphore, #tpu.memory_space<semaphore_mem>>)
    %dma_start3A_207 = arith.constant 2432 : i32
    %dma_start3A_208 = arith.constant 0 : i32
    %dma_start3A_209 = tpu.memref_slice %arg1[%dma_start3A_207, %dma_start3A_208] : memref<8192x8192xi8, #tpu.memory_space<any>> -> memref<64x8192xi8, #tpu.memory_space<any>>
    tpu.enqueue_dma source(%arg2 : memref<64x8192xi8, #tpu.memory_space<vmem>>) target(%dma_start3A_209 : memref<64x8192xi8, #tpu.memory_space<any>>) target_semaphore(%arg4 : memref<!tpu.dma_semaphore, #tpu.memory_space<semaphore_mem>>)
    %dma_start3A_210 = arith.constant 2496 : i32
    %dma_start3A_211 = arith.constant 0 : i32
    %dma_start3A_212 = tpu.memref_slice %arg1[%dma_start3A_210, %dma_start3A_211] : memref<8192x8192xi8, #tpu.memory_space<any>> -> memref<64x8192xi8, #tpu.memory_space<any>>
    tpu.enqueue_dma source(%arg2 : memref<64x8192xi8, #tpu.memory_space<vmem>>) target(%dma_start3A_212 : memref<64x8192xi8, #tpu.memory_space<any>>) target_semaphore(%arg4 : memref<!tpu.dma_semaphore, #tpu.memory_space<semaphore_mem>>)
    %dma_start3A_213 = arith.constant 2560 : i32
    %dma_start3A_214 = arith.constant 0 : i32
    %dma_start3A_215 = tpu.memref_slice %arg1[%dma_start3A_213, %dma_start3A_214] : memref<8192x8192xi8, #tpu.memory_space<any>> -> memref<64x8192xi8, #tpu.memory_space<any>>
    tpu.enqueue_dma source(%arg2 : memref<64x8192xi8, #tpu.memory_space<vmem>>) target(%dma_start3A_215 : memref<64x8192xi8, #tpu.memory_space<any>>) target_semaphore(%arg4 : memref<!tpu.dma_semaphore, #tpu.memory_space<semaphore_mem>>)
    %dma_start3A_216 = arith.constant 2624 : i32
    %dma_start3A_217 = arith.constant 0 : i32
    %dma_start3A_218 = tpu.memref_slice %arg1[%dma_start3A_216, %dma_start3A_217] : memref<8192x8192xi8, #tpu.memory_space<any>> -> memref<64x8192xi8, #tpu.memory_space<any>>
    tpu.enqueue_dma source(%arg2 : memref<64x8192xi8, #tpu.memory_space<vmem>>) target(%dma_start3A_218 : memref<64x8192xi8, #tpu.memory_space<any>>) target_semaphore(%arg4 : memref<!tpu.dma_semaphore, #tpu.memory_space<semaphore_mem>>)
    %dma_start3A_219 = arith.constant 2688 : i32
    %dma_start3A_220 = arith.constant 0 : i32
    %dma_start3A_221 = tpu.memref_slice %arg1[%dma_start3A_219, %dma_start3A_220] : memref<8192x8192xi8, #tpu.memory_space<any>> -> memref<64x8192xi8, #tpu.memory_space<any>>
    tpu.enqueue_dma source(%arg2 : memref<64x8192xi8, #tpu.memory_space<vmem>>) target(%dma_start3A_221 : memref<64x8192xi8, #tpu.memory_space<any>>) target_semaphore(%arg4 : memref<!tpu.dma_semaphore, #tpu.memory_space<semaphore_mem>>)
    %dma_start3A_222 = arith.constant 2752 : i32
    %dma_start3A_223 = arith.constant 0 : i32
    %dma_start3A_224 = tpu.memref_slice %arg1[%dma_start3A_222, %dma_start3A_223] : memref<8192x8192xi8, #tpu.memory_space<any>> -> memref<64x8192xi8, #tpu.memory_space<any>>
    tpu.enqueue_dma source(%arg2 : memref<64x8192xi8, #tpu.memory_space<vmem>>) target(%dma_start3A_224 : memref<64x8192xi8, #tpu.memory_space<any>>) target_semaphore(%arg4 : memref<!tpu.dma_semaphore, #tpu.memory_space<semaphore_mem>>)
    %dma_start3A_225 = arith.constant 2816 : i32
    %dma_start3A_226 = arith.constant 0 : i32
    %dma_start3A_227 = tpu.memref_slice %arg1[%dma_start3A_225, %dma_start3A_226] : memref<8192x8192xi8, #tpu.memory_space<any>> -> memref<64x8192xi8, #tpu.memory_space<any>>
    tpu.enqueue_dma source(%arg2 : memref<64x8192xi8, #tpu.memory_space<vmem>>) target(%dma_start3A_227 : memref<64x8192xi8, #tpu.memory_space<any>>) target_semaphore(%arg4 : memref<!tpu.dma_semaphore, #tpu.memory_space<semaphore_mem>>)
    %dma_start3A_228 = arith.constant 2880 : i32
    %dma_start3A_229 = arith.constant 0 : i32
    %dma_start3A_230 = tpu.memref_slice %arg1[%dma_start3A_228, %dma_start3A_229] : memref<8192x8192xi8, #tpu.memory_space<any>> -> memref<64x8192xi8, #tpu.memory_space<any>>
    tpu.enqueue_dma source(%arg2 : memref<64x8192xi8, #tpu.memory_space<vmem>>) target(%dma_start3A_230 : memref<64x8192xi8, #tpu.memory_space<any>>) target_semaphore(%arg4 : memref<!tpu.dma_semaphore, #tpu.memory_space<semaphore_mem>>)
    %dma_start3A_231 = arith.constant 2944 : i32
    %dma_start3A_232 = arith.constant 0 : i32
    %dma_start3A_233 = tpu.memref_slice %arg1[%dma_start3A_231, %dma_start3A_232] : memref<8192x8192xi8, #tpu.memory_space<any>> -> memref<64x8192xi8, #tpu.memory_space<any>>
    tpu.enqueue_dma source(%arg2 : memref<64x8192xi8, #tpu.memory_space<vmem>>) target(%dma_start3A_233 : memref<64x8192xi8, #tpu.memory_space<any>>) target_semaphore(%arg4 : memref<!tpu.dma_semaphore, #tpu.memory_space<semaphore_mem>>)
    %dma_start3A_234 = arith.constant 3008 : i32
    %dma_start3A_235 = arith.constant 0 : i32
    %dma_start3A_236 = tpu.memref_slice %arg1[%dma_start3A_234, %dma_start3A_235] : memref<8192x8192xi8, #tpu.memory_space<any>> -> memref<64x8192xi8, #tpu.memory_space<any>>
    tpu.enqueue_dma source(%arg2 : memref<64x8192xi8, #tpu.memory_space<vmem>>) target(%dma_start3A_236 : memref<64x8192xi8, #tpu.memory_space<any>>) target_semaphore(%arg4 : memref<!tpu.dma_semaphore, #tpu.memory_space<semaphore_mem>>)
    %dma_start3A_237 = arith.constant 3072 : i32
    %dma_start3A_238 = arith.constant 0 : i32
    %dma_start3A_239 = tpu.memref_slice %arg1[%dma_start3A_237, %dma_start3A_238] : memref<8192x8192xi8, #tpu.memory_space<any>> -> memref<64x8192xi8, #tpu.memory_space<any>>
    tpu.enqueue_dma source(%arg2 : memref<64x8192xi8, #tpu.memory_space<vmem>>) target(%dma_start3A_239 : memref<64x8192xi8, #tpu.memory_space<any>>) target_semaphore(%arg4 : memref<!tpu.dma_semaphore, #tpu.memory_space<semaphore_mem>>)
    %dma_start3A_240 = arith.constant 3136 : i32
    %dma_start3A_241 = arith.constant 0 : i32
    %dma_start3A_242 = tpu.memref_slice %arg1[%dma_start3A_240, %dma_start3A_241] : memref<8192x8192xi8, #tpu.memory_space<any>> -> memref<64x8192xi8, #tpu.memory_space<any>>
    tpu.enqueue_dma source(%arg2 : memref<64x8192xi8, #tpu.memory_space<vmem>>) target(%dma_start3A_242 : memref<64x8192xi8, #tpu.memory_space<any>>) target_semaphore(%arg4 : memref<!tpu.dma_semaphore, #tpu.memory_space<semaphore_mem>>)
    %dma_start3A_243 = arith.constant 3200 : i32
    %dma_start3A_244 = arith.constant 0 : i32
    %dma_start3A_245 = tpu.memref_slice %arg1[%dma_start3A_243, %dma_start3A_244] : memref<8192x8192xi8, #tpu.memory_space<any>> -> memref<64x8192xi8, #tpu.memory_space<any>>
    tpu.enqueue_dma source(%arg2 : memref<64x8192xi8, #tpu.memory_space<vmem>>) target(%dma_start3A_245 : memref<64x8192xi8, #tpu.memory_space<any>>) target_semaphore(%arg4 : memref<!tpu.dma_semaphore, #tpu.memory_space<semaphore_mem>>)
    %dma_start3A_246 = arith.constant 3264 : i32
    %dma_start3A_247 = arith.constant 0 : i32
    %dma_start3A_248 = tpu.memref_slice %arg1[%dma_start3A_246, %dma_start3A_247] : memref<8192x8192xi8, #tpu.memory_space<any>> -> memref<64x8192xi8, #tpu.memory_space<any>>
    tpu.enqueue_dma source(%arg2 : memref<64x8192xi8, #tpu.memory_space<vmem>>) target(%dma_start3A_248 : memref<64x8192xi8, #tpu.memory_space<any>>) target_semaphore(%arg4 : memref<!tpu.dma_semaphore, #tpu.memory_space<semaphore_mem>>)
    %dma_start3A_249 = arith.constant 3328 : i32
    %dma_start3A_250 = arith.constant 0 : i32
    %dma_start3A_251 = tpu.memref_slice %arg1[%dma_start3A_249, %dma_start3A_250] : memref<8192x8192xi8, #tpu.memory_space<any>> -> memref<64x8192xi8, #tpu.memory_space<any>>
    tpu.enqueue_dma source(%arg2 : memref<64x8192xi8, #tpu.memory_space<vmem>>) target(%dma_start3A_251 : memref<64x8192xi8, #tpu.memory_space<any>>) target_semaphore(%arg4 : memref<!tpu.dma_semaphore, #tpu.memory_space<semaphore_mem>>)
    %dma_start3A_252 = arith.constant 3392 : i32
    %dma_start3A_253 = arith.constant 0 : i32
    %dma_start3A_254 = tpu.memref_slice %arg1[%dma_start3A_252, %dma_start3A_253] : memref<8192x8192xi8, #tpu.memory_space<any>> -> memref<64x8192xi8, #tpu.memory_space<any>>
    tpu.enqueue_dma source(%arg2 : memref<64x8192xi8, #tpu.memory_space<vmem>>) target(%dma_start3A_254 : memref<64x8192xi8, #tpu.memory_space<any>>) target_semaphore(%arg4 : memref<!tpu.dma_semaphore, #tpu.memory_space<semaphore_mem>>)
    %dma_start3A_255 = arith.constant 3456 : i32
    %dma_start3A_256 = arith.constant 0 : i32
    %dma_start3A_257 = tpu.memref_slice %arg1[%dma_start3A_255, %dma_start3A_256] : memref<8192x8192xi8, #tpu.memory_space<any>> -> memref<64x8192xi8, #tpu.memory_space<any>>
    tpu.enqueue_dma source(%arg2 : memref<64x8192xi8, #tpu.memory_space<vmem>>) target(%dma_start3A_257 : memref<64x8192xi8, #tpu.memory_space<any>>) target_semaphore(%arg4 : memref<!tpu.dma_semaphore, #tpu.memory_space<semaphore_mem>>)
    %dma_start3A_258 = arith.constant 3520 : i32
    %dma_start3A_259 = arith.constant 0 : i32
    %dma_start3A_260 = tpu.memref_slice %arg1[%dma_start3A_258, %dma_start3A_259] : memref<8192x8192xi8, #tpu.memory_space<any>> -> memref<64x8192xi8, #tpu.memory_space<any>>
    tpu.enqueue_dma source(%arg2 : memref<64x8192xi8, #tpu.memory_space<vmem>>) target(%dma_start3A_260 : memref<64x8192xi8, #tpu.memory_space<any>>) target_semaphore(%arg4 : memref<!tpu.dma_semaphore, #tpu.memory_space<semaphore_mem>>)
    %dma_start3A_261 = arith.constant 3584 : i32
    %dma_start3A_262 = arith.constant 0 : i32
    %dma_start3A_263 = tpu.memref_slice %arg1[%dma_start3A_261, %dma_start3A_262] : memref<8192x8192xi8, #tpu.memory_space<any>> -> memref<64x8192xi8, #tpu.memory_space<any>>
    tpu.enqueue_dma source(%arg2 : memref<64x8192xi8, #tpu.memory_space<vmem>>) target(%dma_start3A_263 : memref<64x8192xi8, #tpu.memory_space<any>>) target_semaphore(%arg4 : memref<!tpu.dma_semaphore, #tpu.memory_space<semaphore_mem>>)
    %dma_start3A_264 = arith.constant 3648 : i32
    %dma_start3A_265 = arith.constant 0 : i32
    %dma_start3A_266 = tpu.memref_slice %arg1[%dma_start3A_264, %dma_start3A_265] : memref<8192x8192xi8, #tpu.memory_space<any>> -> memref<64x8192xi8, #tpu.memory_space<any>>
    tpu.enqueue_dma source(%arg2 : memref<64x8192xi8, #tpu.memory_space<vmem>>) target(%dma_start3A_266 : memref<64x8192xi8, #tpu.memory_space<any>>) target_semaphore(%arg4 : memref<!tpu.dma_semaphore, #tpu.memory_space<semaphore_mem>>)
    %dma_start3A_267 = arith.constant 3712 : i32
    %dma_start3A_268 = arith.constant 0 : i32
    %dma_start3A_269 = tpu.memref_slice %arg1[%dma_start3A_267, %dma_start3A_268] : memref<8192x8192xi8, #tpu.memory_space<any>> -> memref<64x8192xi8, #tpu.memory_space<any>>
    tpu.enqueue_dma source(%arg2 : memref<64x8192xi8, #tpu.memory_space<vmem>>) target(%dma_start3A_269 : memref<64x8192xi8, #tpu.memory_space<any>>) target_semaphore(%arg4 : memref<!tpu.dma_semaphore, #tpu.memory_space<semaphore_mem>>)
    %dma_start3A_270 = arith.constant 3776 : i32
    %dma_start3A_271 = arith.constant 0 : i32
    %dma_start3A_272 = tpu.memref_slice %arg1[%dma_start3A_270, %dma_start3A_271] : memref<8192x8192xi8, #tpu.memory_space<any>> -> memref<64x8192xi8, #tpu.memory_space<any>>
    tpu.enqueue_dma source(%arg2 : memref<64x8192xi8, #tpu.memory_space<vmem>>) target(%dma_start3A_272 : memref<64x8192xi8, #tpu.memory_space<any>>) target_semaphore(%arg4 : memref<!tpu.dma_semaphore, #tpu.memory_space<semaphore_mem>>)
    %dma_start3A_273 = arith.constant 3840 : i32
    %dma_start3A_274 = arith.constant 0 : i32
    %dma_start3A_275 = tpu.memref_slice %arg1[%dma_start3A_273, %dma_start3A_274] : memref<8192x8192xi8, #tpu.memory_space<any>> -> memref<64x8192xi8, #tpu.memory_space<any>>
    tpu.enqueue_dma source(%arg2 : memref<64x8192xi8, #tpu.memory_space<vmem>>) target(%dma_start3A_275 : memref<64x8192xi8, #tpu.memory_space<any>>) target_semaphore(%arg4 : memref<!tpu.dma_semaphore, #tpu.memory_space<semaphore_mem>>)
    %dma_start3A_276 = arith.constant 3904 : i32
    %dma_start3A_277 = arith.constant 0 : i32
    %dma_start3A_278 = tpu.memref_slice %arg1[%dma_start3A_276, %dma_start3A_277] : memref<8192x8192xi8, #tpu.memory_space<any>> -> memref<64x8192xi8, #tpu.memory_space<any>>
    tpu.enqueue_dma source(%arg2 : memref<64x8192xi8, #tpu.memory_space<vmem>>) target(%dma_start3A_278 : memref<64x8192xi8, #tpu.memory_space<any>>) target_semaphore(%arg4 : memref<!tpu.dma_semaphore, #tpu.memory_space<semaphore_mem>>)
    %dma_start3A_279 = arith.constant 3968 : i32
    %dma_start3A_280 = arith.constant 0 : i32
    %dma_start3A_281 = tpu.memref_slice %arg1[%dma_start3A_279, %dma_start3A_280] : memref<8192x8192xi8, #tpu.memory_space<any>> -> memref<64x8192xi8, #tpu.memory_space<any>>
    tpu.enqueue_dma source(%arg2 : memref<64x8192xi8, #tpu.memory_space<vmem>>) target(%dma_start3A_281 : memref<64x8192xi8, #tpu.memory_space<any>>) target_semaphore(%arg4 : memref<!tpu.dma_semaphore, #tpu.memory_space<semaphore_mem>>)
    %dma_start3A_282 = arith.constant 4032 : i32
    %dma_start3A_283 = arith.constant 0 : i32
    %dma_start3A_284 = tpu.memref_slice %arg1[%dma_start3A_282, %dma_start3A_283] : memref<8192x8192xi8, #tpu.memory_space<any>> -> memref<64x8192xi8, #tpu.memory_space<any>>
    tpu.enqueue_dma source(%arg2 : memref<64x8192xi8, #tpu.memory_space<vmem>>) target(%dma_start3A_284 : memref<64x8192xi8, #tpu.memory_space<any>>) target_semaphore(%arg4 : memref<!tpu.dma_semaphore, #tpu.memory_space<semaphore_mem>>)
    %dma_start3A_285 = arith.constant 4096 : i32
    %dma_start3A_286 = arith.constant 0 : i32
    %dma_start3A_287 = tpu.memref_slice %arg1[%dma_start3A_285, %dma_start3A_286] : memref<8192x8192xi8, #tpu.memory_space<any>> -> memref<64x8192xi8, #tpu.memory_space<any>>
    tpu.enqueue_dma source(%arg2 : memref<64x8192xi8, #tpu.memory_space<vmem>>) target(%dma_start3A_287 : memref<64x8192xi8, #tpu.memory_space<any>>) target_semaphore(%arg4 : memref<!tpu.dma_semaphore, #tpu.memory_space<semaphore_mem>>)
    %dma_start3A_288 = arith.constant 4160 : i32
    %dma_start3A_289 = arith.constant 0 : i32
    %dma_start3A_290 = tpu.memref_slice %arg1[%dma_start3A_288, %dma_start3A_289] : memref<8192x8192xi8, #tpu.memory_space<any>> -> memref<64x8192xi8, #tpu.memory_space<any>>
    tpu.enqueue_dma source(%arg2 : memref<64x8192xi8, #tpu.memory_space<vmem>>) target(%dma_start3A_290 : memref<64x8192xi8, #tpu.memory_space<any>>) target_semaphore(%arg4 : memref<!tpu.dma_semaphore, #tpu.memory_space<semaphore_mem>>)
    %dma_start3A_291 = arith.constant 4224 : i32
    %dma_start3A_292 = arith.constant 0 : i32
    %dma_start3A_293 = tpu.memref_slice %arg1[%dma_start3A_291, %dma_start3A_292] : memref<8192x8192xi8, #tpu.memory_space<any>> -> memref<64x8192xi8, #tpu.memory_space<any>>
    tpu.enqueue_dma source(%arg2 : memref<64x8192xi8, #tpu.memory_space<vmem>>) target(%dma_start3A_293 : memref<64x8192xi8, #tpu.memory_space<any>>) target_semaphore(%arg4 : memref<!tpu.dma_semaphore, #tpu.memory_space<semaphore_mem>>)
    %dma_start3A_294 = arith.constant 4288 : i32
    %dma_start3A_295 = arith.constant 0 : i32
    %dma_start3A_296 = tpu.memref_slice %arg1[%dma_start3A_294, %dma_start3A_295] : memref<8192x8192xi8, #tpu.memory_space<any>> -> memref<64x8192xi8, #tpu.memory_space<any>>
    tpu.enqueue_dma source(%arg2 : memref<64x8192xi8, #tpu.memory_space<vmem>>) target(%dma_start3A_296 : memref<64x8192xi8, #tpu.memory_space<any>>) target_semaphore(%arg4 : memref<!tpu.dma_semaphore, #tpu.memory_space<semaphore_mem>>)
    %dma_start3A_297 = arith.constant 4352 : i32
    %dma_start3A_298 = arith.constant 0 : i32
    %dma_start3A_299 = tpu.memref_slice %arg1[%dma_start3A_297, %dma_start3A_298] : memref<8192x8192xi8, #tpu.memory_space<any>> -> memref<64x8192xi8, #tpu.memory_space<any>>
    tpu.enqueue_dma source(%arg2 : memref<64x8192xi8, #tpu.memory_space<vmem>>) target(%dma_start3A_299 : memref<64x8192xi8, #tpu.memory_space<any>>) target_semaphore(%arg4 : memref<!tpu.dma_semaphore, #tpu.memory_space<semaphore_mem>>)
    %dma_start3A_300 = arith.constant 4416 : i32
    %dma_start3A_301 = arith.constant 0 : i32
    %dma_start3A_302 = tpu.memref_slice %arg1[%dma_start3A_300, %dma_start3A_301] : memref<8192x8192xi8, #tpu.memory_space<any>> -> memref<64x8192xi8, #tpu.memory_space<any>>
    tpu.enqueue_dma source(%arg2 : memref<64x8192xi8, #tpu.memory_space<vmem>>) target(%dma_start3A_302 : memref<64x8192xi8, #tpu.memory_space<any>>) target_semaphore(%arg4 : memref<!tpu.dma_semaphore, #tpu.memory_space<semaphore_mem>>)
    %dma_start3A_303 = arith.constant 4480 : i32
    %dma_start3A_304 = arith.constant 0 : i32
    %dma_start3A_305 = tpu.memref_slice %arg1[%dma_start3A_303, %dma_start3A_304] : memref<8192x8192xi8, #tpu.memory_space<any>> -> memref<64x8192xi8, #tpu.memory_space<any>>
    tpu.enqueue_dma source(%arg2 : memref<64x8192xi8, #tpu.memory_space<vmem>>) target(%dma_start3A_305 : memref<64x8192xi8, #tpu.memory_space<any>>) target_semaphore(%arg4 : memref<!tpu.dma_semaphore, #tpu.memory_space<semaphore_mem>>)
    %dma_start3A_306 = arith.constant 4544 : i32
    %dma_start3A_307 = arith.constant 0 : i32
    %dma_start3A_308 = tpu.memref_slice %arg1[%dma_start3A_306, %dma_start3A_307] : memref<8192x8192xi8, #tpu.memory_space<any>> -> memref<64x8192xi8, #tpu.memory_space<any>>
    tpu.enqueue_dma source(%arg2 : memref<64x8192xi8, #tpu.memory_space<vmem>>) target(%dma_start3A_308 : memref<64x8192xi8, #tpu.memory_space<any>>) target_semaphore(%arg4 : memref<!tpu.dma_semaphore, #tpu.memory_space<semaphore_mem>>)
    %dma_start3A_309 = arith.constant 4608 : i32
    %dma_start3A_310 = arith.constant 0 : i32
    %dma_start3A_311 = tpu.memref_slice %arg1[%dma_start3A_309, %dma_start3A_310] : memref<8192x8192xi8, #tpu.memory_space<any>> -> memref<64x8192xi8, #tpu.memory_space<any>>
    tpu.enqueue_dma source(%arg2 : memref<64x8192xi8, #tpu.memory_space<vmem>>) target(%dma_start3A_311 : memref<64x8192xi8, #tpu.memory_space<any>>) target_semaphore(%arg4 : memref<!tpu.dma_semaphore, #tpu.memory_space<semaphore_mem>>)
    %dma_start3A_312 = arith.constant 4672 : i32
    %dma_start3A_313 = arith.constant 0 : i32
    %dma_start3A_314 = tpu.memref_slice %arg1[%dma_start3A_312, %dma_start3A_313] : memref<8192x8192xi8, #tpu.memory_space<any>> -> memref<64x8192xi8, #tpu.memory_space<any>>
    tpu.enqueue_dma source(%arg2 : memref<64x8192xi8, #tpu.memory_space<vmem>>) target(%dma_start3A_314 : memref<64x8192xi8, #tpu.memory_space<any>>) target_semaphore(%arg4 : memref<!tpu.dma_semaphore, #tpu.memory_space<semaphore_mem>>)
    %dma_start3A_315 = arith.constant 4736 : i32
    %dma_start3A_316 = arith.constant 0 : i32
    %dma_start3A_317 = tpu.memref_slice %arg1[%dma_start3A_315, %dma_start3A_316] : memref<8192x8192xi8, #tpu.memory_space<any>> -> memref<64x8192xi8, #tpu.memory_space<any>>
    tpu.enqueue_dma source(%arg2 : memref<64x8192xi8, #tpu.memory_space<vmem>>) target(%dma_start3A_317 : memref<64x8192xi8, #tpu.memory_space<any>>) target_semaphore(%arg4 : memref<!tpu.dma_semaphore, #tpu.memory_space<semaphore_mem>>)
    %dma_start3A_318 = arith.constant 4800 : i32
    %dma_start3A_319 = arith.constant 0 : i32
    %dma_start3A_320 = tpu.memref_slice %arg1[%dma_start3A_318, %dma_start3A_319] : memref<8192x8192xi8, #tpu.memory_space<any>> -> memref<64x8192xi8, #tpu.memory_space<any>>
    tpu.enqueue_dma source(%arg2 : memref<64x8192xi8, #tpu.memory_space<vmem>>) target(%dma_start3A_320 : memref<64x8192xi8, #tpu.memory_space<any>>) target_semaphore(%arg4 : memref<!tpu.dma_semaphore, #tpu.memory_space<semaphore_mem>>)
    %dma_start3A_321 = arith.constant 4864 : i32
    %dma_start3A_322 = arith.constant 0 : i32
    %dma_start3A_323 = tpu.memref_slice %arg1[%dma_start3A_321, %dma_start3A_322] : memref<8192x8192xi8, #tpu.memory_space<any>> -> memref<64x8192xi8, #tpu.memory_space<any>>
    tpu.enqueue_dma source(%arg2 : memref<64x8192xi8, #tpu.memory_space<vmem>>) target(%dma_start3A_323 : memref<64x8192xi8, #tpu.memory_space<any>>) target_semaphore(%arg4 : memref<!tpu.dma_semaphore, #tpu.memory_space<semaphore_mem>>)
    %dma_start3A_324 = arith.constant 4928 : i32
    %dma_start3A_325 = arith.constant 0 : i32
    %dma_start3A_326 = tpu.memref_slice %arg1[%dma_start3A_324, %dma_start3A_325] : memref<8192x8192xi8, #tpu.memory_space<any>> -> memref<64x8192xi8, #tpu.memory_space<any>>
    tpu.enqueue_dma source(%arg2 : memref<64x8192xi8, #tpu.memory_space<vmem>>) target(%dma_start3A_326 : memref<64x8192xi8, #tpu.memory_space<any>>) target_semaphore(%arg4 : memref<!tpu.dma_semaphore, #tpu.memory_space<semaphore_mem>>)
    %dma_start3A_327 = arith.constant 4992 : i32
    %dma_start3A_328 = arith.constant 0 : i32
    %dma_start3A_329 = tpu.memref_slice %arg1[%dma_start3A_327, %dma_start3A_328] : memref<8192x8192xi8, #tpu.memory_space<any>> -> memref<64x8192xi8, #tpu.memory_space<any>>
    tpu.enqueue_dma source(%arg2 : memref<64x8192xi8, #tpu.memory_space<vmem>>) target(%dma_start3A_329 : memref<64x8192xi8, #tpu.memory_space<any>>) target_semaphore(%arg4 : memref<!tpu.dma_semaphore, #tpu.memory_space<semaphore_mem>>)
    %dma_start3A_330 = arith.constant 5056 : i32
    %dma_start3A_331 = arith.constant 0 : i32
    %dma_start3A_332 = tpu.memref_slice %arg1[%dma_start3A_330, %dma_start3A_331] : memref<8192x8192xi8, #tpu.memory_space<any>> -> memref<64x8192xi8, #tpu.memory_space<any>>
    tpu.enqueue_dma source(%arg2 : memref<64x8192xi8, #tpu.memory_space<vmem>>) target(%dma_start3A_332 : memref<64x8192xi8, #tpu.memory_space<any>>) target_semaphore(%arg4 : memref<!tpu.dma_semaphore, #tpu.memory_space<semaphore_mem>>)
    %dma_start3A_333 = arith.constant 5120 : i32
    %dma_start3A_334 = arith.constant 0 : i32
    %dma_start3A_335 = tpu.memref_slice %arg1[%dma_start3A_333, %dma_start3A_334] : memref<8192x8192xi8, #tpu.memory_space<any>> -> memref<64x8192xi8, #tpu.memory_space<any>>
    tpu.enqueue_dma source(%arg2 : memref<64x8192xi8, #tpu.memory_space<vmem>>) target(%dma_start3A_335 : memref<64x8192xi8, #tpu.memory_space<any>>) target_semaphore(%arg4 : memref<!tpu.dma_semaphore, #tpu.memory_space<semaphore_mem>>)
    %dma_start3A_336 = arith.constant 5184 : i32
    %dma_start3A_337 = arith.constant 0 : i32
    %dma_start3A_338 = tpu.memref_slice %arg1[%dma_start3A_336, %dma_start3A_337] : memref<8192x8192xi8, #tpu.memory_space<any>> -> memref<64x8192xi8, #tpu.memory_space<any>>
    tpu.enqueue_dma source(%arg2 : memref<64x8192xi8, #tpu.memory_space<vmem>>) target(%dma_start3A_338 : memref<64x8192xi8, #tpu.memory_space<any>>) target_semaphore(%arg4 : memref<!tpu.dma_semaphore, #tpu.memory_space<semaphore_mem>>)
    %dma_start3A_339 = arith.constant 5248 : i32
    %dma_start3A_340 = arith.constant 0 : i32
    %dma_start3A_341 = tpu.memref_slice %arg1[%dma_start3A_339, %dma_start3A_340] : memref<8192x8192xi8, #tpu.memory_space<any>> -> memref<64x8192xi8, #tpu.memory_space<any>>
    tpu.enqueue_dma source(%arg2 : memref<64x8192xi8, #tpu.memory_space<vmem>>) target(%dma_start3A_341 : memref<64x8192xi8, #tpu.memory_space<any>>) target_semaphore(%arg4 : memref<!tpu.dma_semaphore, #tpu.memory_space<semaphore_mem>>)
    %dma_start3A_342 = arith.constant 5312 : i32
    %dma_start3A_343 = arith.constant 0 : i32
    %dma_start3A_344 = tpu.memref_slice %arg1[%dma_start3A_342, %dma_start3A_343] : memref<8192x8192xi8, #tpu.memory_space<any>> -> memref<64x8192xi8, #tpu.memory_space<any>>
    tpu.enqueue_dma source(%arg2 : memref<64x8192xi8, #tpu.memory_space<vmem>>) target(%dma_start3A_344 : memref<64x8192xi8, #tpu.memory_space<any>>) target_semaphore(%arg4 : memref<!tpu.dma_semaphore, #tpu.memory_space<semaphore_mem>>)
    %dma_start3A_345 = arith.constant 5376 : i32
    %dma_start3A_346 = arith.constant 0 : i32
    %dma_start3A_347 = tpu.memref_slice %arg1[%dma_start3A_345, %dma_start3A_346] : memref<8192x8192xi8, #tpu.memory_space<any>> -> memref<64x8192xi8, #tpu.memory_space<any>>
    tpu.enqueue_dma source(%arg2 : memref<64x8192xi8, #tpu.memory_space<vmem>>) target(%dma_start3A_347 : memref<64x8192xi8, #tpu.memory_space<any>>) target_semaphore(%arg4 : memref<!tpu.dma_semaphore, #tpu.memory_space<semaphore_mem>>)
    %dma_start3A_348 = arith.constant 5440 : i32
    %dma_start3A_349 = arith.constant 0 : i32
    %dma_start3A_350 = tpu.memref_slice %arg1[%dma_start3A_348, %dma_start3A_349] : memref<8192x8192xi8, #tpu.memory_space<any>> -> memref<64x8192xi8, #tpu.memory_space<any>>
    tpu.enqueue_dma source(%arg2 : memref<64x8192xi8, #tpu.memory_space<vmem>>) target(%dma_start3A_350 : memref<64x8192xi8, #tpu.memory_space<any>>) target_semaphore(%arg4 : memref<!tpu.dma_semaphore, #tpu.memory_space<semaphore_mem>>)
    %dma_start3A_351 = arith.constant 5504 : i32
    %dma_start3A_352 = arith.constant 0 : i32
    %dma_start3A_353 = tpu.memref_slice %arg1[%dma_start3A_351, %dma_start3A_352] : memref<8192x8192xi8, #tpu.memory_space<any>> -> memref<64x8192xi8, #tpu.memory_space<any>>
    tpu.enqueue_dma source(%arg2 : memref<64x8192xi8, #tpu.memory_space<vmem>>) target(%dma_start3A_353 : memref<64x8192xi8, #tpu.memory_space<any>>) target_semaphore(%arg4 : memref<!tpu.dma_semaphore, #tpu.memory_space<semaphore_mem>>)
    %dma_start3A_354 = arith.constant 5568 : i32
    %dma_start3A_355 = arith.constant 0 : i32
    %dma_start3A_356 = tpu.memref_slice %arg1[%dma_start3A_354, %dma_start3A_355] : memref<8192x8192xi8, #tpu.memory_space<any>> -> memref<64x8192xi8, #tpu.memory_space<any>>
    tpu.enqueue_dma source(%arg2 : memref<64x8192xi8, #tpu.memory_space<vmem>>) target(%dma_start3A_356 : memref<64x8192xi8, #tpu.memory_space<any>>) target_semaphore(%arg4 : memref<!tpu.dma_semaphore, #tpu.memory_space<semaphore_mem>>)
    %dma_start3A_357 = arith.constant 5632 : i32
    %dma_start3A_358 = arith.constant 0 : i32
    %dma_start3A_359 = tpu.memref_slice %arg1[%dma_start3A_357, %dma_start3A_358] : memref<8192x8192xi8, #tpu.memory_space<any>> -> memref<64x8192xi8, #tpu.memory_space<any>>
    tpu.enqueue_dma source(%arg2 : memref<64x8192xi8, #tpu.memory_space<vmem>>) target(%dma_start3A_359 : memref<64x8192xi8, #tpu.memory_space<any>>) target_semaphore(%arg4 : memref<!tpu.dma_semaphore, #tpu.memory_space<semaphore_mem>>)
    %dma_start3A_360 = arith.constant 5696 : i32
    %dma_start3A_361 = arith.constant 0 : i32
    %dma_start3A_362 = tpu.memref_slice %arg1[%dma_start3A_360, %dma_start3A_361] : memref<8192x8192xi8, #tpu.memory_space<any>> -> memref<64x8192xi8, #tpu.memory_space<any>>
    tpu.enqueue_dma source(%arg2 : memref<64x8192xi8, #tpu.memory_space<vmem>>) target(%dma_start3A_362 : memref<64x8192xi8, #tpu.memory_space<any>>) target_semaphore(%arg4 : memref<!tpu.dma_semaphore, #tpu.memory_space<semaphore_mem>>)
    %dma_start3A_363 = arith.constant 5760 : i32
    %dma_start3A_364 = arith.constant 0 : i32
    %dma_start3A_365 = tpu.memref_slice %arg1[%dma_start3A_363, %dma_start3A_364] : memref<8192x8192xi8, #tpu.memory_space<any>> -> memref<64x8192xi8, #tpu.memory_space<any>>
    tpu.enqueue_dma source(%arg2 : memref<64x8192xi8, #tpu.memory_space<vmem>>) target(%dma_start3A_365 : memref<64x8192xi8, #tpu.memory_space<any>>) target_semaphore(%arg4 : memref<!tpu.dma_semaphore, #tpu.memory_space<semaphore_mem>>)
    %dma_start3A_366 = arith.constant 5824 : i32
    %dma_start3A_367 = arith.constant 0 : i32
    %dma_start3A_368 = tpu.memref_slice %arg1[%dma_start3A_366, %dma_start3A_367] : memref<8192x8192xi8, #tpu.memory_space<any>> -> memref<64x8192xi8, #tpu.memory_space<any>>
    tpu.enqueue_dma source(%arg2 : memref<64x8192xi8, #tpu.memory_space<vmem>>) target(%dma_start3A_368 : memref<64x8192xi8, #tpu.memory_space<any>>) target_semaphore(%arg4 : memref<!tpu.dma_semaphore, #tpu.memory_space<semaphore_mem>>)
    %dma_start3A_369 = arith.constant 5888 : i32
    %dma_start3A_370 = arith.constant 0 : i32
    %dma_start3A_371 = tpu.memref_slice %arg1[%dma_start3A_369, %dma_start3A_370] : memref<8192x8192xi8, #tpu.memory_space<any>> -> memref<64x8192xi8, #tpu.memory_space<any>>
    tpu.enqueue_dma source(%arg2 : memref<64x8192xi8, #tpu.memory_space<vmem>>) target(%dma_start3A_371 : memref<64x8192xi8, #tpu.memory_space<any>>) target_semaphore(%arg4 : memref<!tpu.dma_semaphore, #tpu.memory_space<semaphore_mem>>)
    %dma_start3A_372 = arith.constant 5952 : i32
    %dma_start3A_373 = arith.constant 0 : i32
    %dma_start3A_374 = tpu.memref_slice %arg1[%dma_start3A_372, %dma_start3A_373] : memref<8192x8192xi8, #tpu.memory_space<any>> -> memref<64x8192xi8, #tpu.memory_space<any>>
    tpu.enqueue_dma source(%arg2 : memref<64x8192xi8, #tpu.memory_space<vmem>>) target(%dma_start3A_374 : memref<64x8192xi8, #tpu.memory_space<any>>) target_semaphore(%arg4 : memref<!tpu.dma_semaphore, #tpu.memory_space<semaphore_mem>>)
    %dma_start3A_375 = arith.constant 6016 : i32
    %dma_start3A_376 = arith.constant 0 : i32
    %dma_start3A_377 = tpu.memref_slice %arg1[%dma_start3A_375, %dma_start3A_376] : memref<8192x8192xi8, #tpu.memory_space<any>> -> memref<64x8192xi8, #tpu.memory_space<any>>
    tpu.enqueue_dma source(%arg2 : memref<64x8192xi8, #tpu.memory_space<vmem>>) target(%dma_start3A_377 : memref<64x8192xi8, #tpu.memory_space<any>>) target_semaphore(%arg4 : memref<!tpu.dma_semaphore, #tpu.memory_space<semaphore_mem>>)
    %dma_start3A_378 = arith.constant 6080 : i32
    %dma_start3A_379 = arith.constant 0 : i32
    %dma_start3A_380 = tpu.memref_slice %arg1[%dma_start3A_378, %dma_start3A_379] : memref<8192x8192xi8, #tpu.memory_space<any>> -> memref<64x8192xi8, #tpu.memory_space<any>>
    tpu.enqueue_dma source(%arg2 : memref<64x8192xi8, #tpu.memory_space<vmem>>) target(%dma_start3A_380 : memref<64x8192xi8, #tpu.memory_space<any>>) target_semaphore(%arg4 : memref<!tpu.dma_semaphore, #tpu.memory_space<semaphore_mem>>)
    %dma_start3A_381 = arith.constant 6144 : i32
    %dma_start3A_382 = arith.constant 0 : i32
    %dma_start3A_383 = tpu.memref_slice %arg1[%dma_start3A_381, %dma_start3A_382] : memref<8192x8192xi8, #tpu.memory_space<any>> -> memref<64x8192xi8, #tpu.memory_space<any>>
    tpu.enqueue_dma source(%arg2 : memref<64x8192xi8, #tpu.memory_space<vmem>>) target(%dma_start3A_383 : memref<64x8192xi8, #tpu.memory_space<any>>) target_semaphore(%arg4 : memref<!tpu.dma_semaphore, #tpu.memory_space<semaphore_mem>>)
    %dma_start3A_384 = arith.constant 6208 : i32
    %dma_start3A_385 = arith.constant 0 : i32
    %dma_start3A_386 = tpu.memref_slice %arg1[%dma_start3A_384, %dma_start3A_385] : memref<8192x8192xi8, #tpu.memory_space<any>> -> memref<64x8192xi8, #tpu.memory_space<any>>
    tpu.enqueue_dma source(%arg2 : memref<64x8192xi8, #tpu.memory_space<vmem>>) target(%dma_start3A_386 : memref<64x8192xi8, #tpu.memory_space<any>>) target_semaphore(%arg4 : memref<!tpu.dma_semaphore, #tpu.memory_space<semaphore_mem>>)
    %dma_start3A_387 = arith.constant 6272 : i32
    %dma_start3A_388 = arith.constant 0 : i32
    %dma_start3A_389 = tpu.memref_slice %arg1[%dma_start3A_387, %dma_start3A_388] : memref<8192x8192xi8, #tpu.memory_space<any>> -> memref<64x8192xi8, #tpu.memory_space<any>>
    tpu.enqueue_dma source(%arg2 : memref<64x8192xi8, #tpu.memory_space<vmem>>) target(%dma_start3A_389 : memref<64x8192xi8, #tpu.memory_space<any>>) target_semaphore(%arg4 : memref<!tpu.dma_semaphore, #tpu.memory_space<semaphore_mem>>)
    %dma_start3A_390 = arith.constant 6336 : i32
    %dma_start3A_391 = arith.constant 0 : i32
    %dma_start3A_392 = tpu.memref_slice %arg1[%dma_start3A_390, %dma_start3A_391] : memref<8192x8192xi8, #tpu.memory_space<any>> -> memref<64x8192xi8, #tpu.memory_space<any>>
    tpu.enqueue_dma source(%arg2 : memref<64x8192xi8, #tpu.memory_space<vmem>>) target(%dma_start3A_392 : memref<64x8192xi8, #tpu.memory_space<any>>) target_semaphore(%arg4 : memref<!tpu.dma_semaphore, #tpu.memory_space<semaphore_mem>>)
    %dma_start3A_393 = arith.constant 6400 : i32
    %dma_start3A_394 = arith.constant 0 : i32
    %dma_start3A_395 = tpu.memref_slice %arg1[%dma_start3A_393, %dma_start3A_394] : memref<8192x8192xi8, #tpu.memory_space<any>> -> memref<64x8192xi8, #tpu.memory_space<any>>
    tpu.enqueue_dma source(%arg2 : memref<64x8192xi8, #tpu.memory_space<vmem>>) target(%dma_start3A_395 : memref<64x8192xi8, #tpu.memory_space<any>>) target_semaphore(%arg4 : memref<!tpu.dma_semaphore, #tpu.memory_space<semaphore_mem>>)
    %dma_start3A_396 = arith.constant 6464 : i32
    %dma_start3A_397 = arith.constant 0 : i32
    %dma_start3A_398 = tpu.memref_slice %arg1[%dma_start3A_396, %dma_start3A_397] : memref<8192x8192xi8, #tpu.memory_space<any>> -> memref<64x8192xi8, #tpu.memory_space<any>>
    tpu.enqueue_dma source(%arg2 : memref<64x8192xi8, #tpu.memory_space<vmem>>) target(%dma_start3A_398 : memref<64x8192xi8, #tpu.memory_space<any>>) target_semaphore(%arg4 : memref<!tpu.dma_semaphore, #tpu.memory_space<semaphore_mem>>)
    %dma_start3A_399 = arith.constant 6528 : i32
    %dma_start3A_400 = arith.constant 0 : i32
    %dma_start3A_401 = tpu.memref_slice %arg1[%dma_start3A_399, %dma_start3A_400] : memref<8192x8192xi8, #tpu.memory_space<any>> -> memref<64x8192xi8, #tpu.memory_space<any>>
    tpu.enqueue_dma source(%arg2 : memref<64x8192xi8, #tpu.memory_space<vmem>>) target(%dma_start3A_401 : memref<64x8192xi8, #tpu.memory_space<any>>) target_semaphore(%arg4 : memref<!tpu.dma_semaphore, #tpu.memory_space<semaphore_mem>>)
    %dma_start3A_402 = arith.constant 6592 : i32
    %dma_start3A_403 = arith.constant 0 : i32
    %dma_start3A_404 = tpu.memref_slice %arg1[%dma_start3A_402, %dma_start3A_403] : memref<8192x8192xi8, #tpu.memory_space<any>> -> memref<64x8192xi8, #tpu.memory_space<any>>
    tpu.enqueue_dma source(%arg2 : memref<64x8192xi8, #tpu.memory_space<vmem>>) target(%dma_start3A_404 : memref<64x8192xi8, #tpu.memory_space<any>>) target_semaphore(%arg4 : memref<!tpu.dma_semaphore, #tpu.memory_space<semaphore_mem>>)
    %dma_start3A_405 = arith.constant 6656 : i32
    %dma_start3A_406 = arith.constant 0 : i32
    %dma_start3A_407 = tpu.memref_slice %arg1[%dma_start3A_405, %dma_start3A_406] : memref<8192x8192xi8, #tpu.memory_space<any>> -> memref<64x8192xi8, #tpu.memory_space<any>>
    tpu.enqueue_dma source(%arg2 : memref<64x8192xi8, #tpu.memory_space<vmem>>) target(%dma_start3A_407 : memref<64x8192xi8, #tpu.memory_space<any>>) target_semaphore(%arg4 : memref<!tpu.dma_semaphore, #tpu.memory_space<semaphore_mem>>)
    %dma_start3A_408 = arith.constant 6720 : i32
    %dma_start3A_409 = arith.constant 0 : i32
    %dma_start3A_410 = tpu.memref_slice %arg1[%dma_start3A_408, %dma_start3A_409] : memref<8192x8192xi8, #tpu.memory_space<any>> -> memref<64x8192xi8, #tpu.memory_space<any>>
    tpu.enqueue_dma source(%arg2 : memref<64x8192xi8, #tpu.memory_space<vmem>>) target(%dma_start3A_410 : memref<64x8192xi8, #tpu.memory_space<any>>) target_semaphore(%arg4 : memref<!tpu.dma_semaphore, #tpu.memory_space<semaphore_mem>>)
    %dma_start3A_411 = arith.constant 6784 : i32
    %dma_start3A_412 = arith.constant 0 : i32
    %dma_start3A_413 = tpu.memref_slice %arg1[%dma_start3A_411, %dma_start3A_412] : memref<8192x8192xi8, #tpu.memory_space<any>> -> memref<64x8192xi8, #tpu.memory_space<any>>
    tpu.enqueue_dma source(%arg2 : memref<64x8192xi8, #tpu.memory_space<vmem>>) target(%dma_start3A_413 : memref<64x8192xi8, #tpu.memory_space<any>>) target_semaphore(%arg4 : memref<!tpu.dma_semaphore, #tpu.memory_space<semaphore_mem>>)
    %dma_start3A_414 = arith.constant 6848 : i32
    %dma_start3A_415 = arith.constant 0 : i32
    %dma_start3A_416 = tpu.memref_slice %arg1[%dma_start3A_414, %dma_start3A_415] : memref<8192x8192xi8, #tpu.memory_space<any>> -> memref<64x8192xi8, #tpu.memory_space<any>>
    tpu.enqueue_dma source(%arg2 : memref<64x8192xi8, #tpu.memory_space<vmem>>) target(%dma_start3A_416 : memref<64x8192xi8, #tpu.memory_space<any>>) target_semaphore(%arg4 : memref<!tpu.dma_semaphore, #tpu.memory_space<semaphore_mem>>)
    %dma_start3A_417 = arith.constant 6912 : i32
    %dma_start3A_418 = arith.constant 0 : i32
    %dma_start3A_419 = tpu.memref_slice %arg1[%dma_start3A_417, %dma_start3A_418] : memref<8192x8192xi8, #tpu.memory_space<any>> -> memref<64x8192xi8, #tpu.memory_space<any>>
    tpu.enqueue_dma source(%arg2 : memref<64x8192xi8, #tpu.memory_space<vmem>>) target(%dma_start3A_419 : memref<64x8192xi8, #tpu.memory_space<any>>) target_semaphore(%arg4 : memref<!tpu.dma_semaphore, #tpu.memory_space<semaphore_mem>>)
    %dma_start3A_420 = arith.constant 6976 : i32
    %dma_start3A_421 = arith.constant 0 : i32
    %dma_start3A_422 = tpu.memref_slice %arg1[%dma_start3A_420, %dma_start3A_421] : memref<8192x8192xi8, #tpu.memory_space<any>> -> memref<64x8192xi8, #tpu.memory_space<any>>
    tpu.enqueue_dma source(%arg2 : memref<64x8192xi8, #tpu.memory_space<vmem>>) target(%dma_start3A_422 : memref<64x8192xi8, #tpu.memory_space<any>>) target_semaphore(%arg4 : memref<!tpu.dma_semaphore, #tpu.memory_space<semaphore_mem>>)
    %dma_start3A_423 = arith.constant 7040 : i32
    %dma_start3A_424 = arith.constant 0 : i32
    %dma_start3A_425 = tpu.memref_slice %arg1[%dma_start3A_423, %dma_start3A_424] : memref<8192x8192xi8, #tpu.memory_space<any>> -> memref<64x8192xi8, #tpu.memory_space<any>>
    tpu.enqueue_dma source(%arg2 : memref<64x8192xi8, #tpu.memory_space<vmem>>) target(%dma_start3A_425 : memref<64x8192xi8, #tpu.memory_space<any>>) target_semaphore(%arg4 : memref<!tpu.dma_semaphore, #tpu.memory_space<semaphore_mem>>)
    %dma_start3A_426 = arith.constant 7104 : i32
    %dma_start3A_427 = arith.constant 0 : i32
    %dma_start3A_428 = tpu.memref_slice %arg1[%dma_start3A_426, %dma_start3A_427] : memref<8192x8192xi8, #tpu.memory_space<any>> -> memref<64x8192xi8, #tpu.memory_space<any>>
    tpu.enqueue_dma source(%arg2 : memref<64x8192xi8, #tpu.memory_space<vmem>>) target(%dma_start3A_428 : memref<64x8192xi8, #tpu.memory_space<any>>) target_semaphore(%arg4 : memref<!tpu.dma_semaphore, #tpu.memory_space<semaphore_mem>>)
    %dma_start3A_429 = arith.constant 7168 : i32
    %dma_start3A_430 = arith.constant 0 : i32
    %dma_start3A_431 = tpu.memref_slice %arg1[%dma_start3A_429, %dma_start3A_430] : memref<8192x8192xi8, #tpu.memory_space<any>> -> memref<64x8192xi8, #tpu.memory_space<any>>
    tpu.enqueue_dma source(%arg2 : memref<64x8192xi8, #tpu.memory_space<vmem>>) target(%dma_start3A_431 : memref<64x8192xi8, #tpu.memory_space<any>>) target_semaphore(%arg4 : memref<!tpu.dma_semaphore, #tpu.memory_space<semaphore_mem>>)
    %dma_start3A_432 = arith.constant 7232 : i32
    %dma_start3A_433 = arith.constant 0 : i32
    %dma_start3A_434 = tpu.memref_slice %arg1[%dma_start3A_432, %dma_start3A_433] : memref<8192x8192xi8, #tpu.memory_space<any>> -> memref<64x8192xi8, #tpu.memory_space<any>>
    tpu.enqueue_dma source(%arg2 : memref<64x8192xi8, #tpu.memory_space<vmem>>) target(%dma_start3A_434 : memref<64x8192xi8, #tpu.memory_space<any>>) target_semaphore(%arg4 : memref<!tpu.dma_semaphore, #tpu.memory_space<semaphore_mem>>)
    %dma_start3A_435 = arith.constant 7296 : i32
    %dma_start3A_436 = arith.constant 0 : i32
    %dma_start3A_437 = tpu.memref_slice %arg1[%dma_start3A_435, %dma_start3A_436] : memref<8192x8192xi8, #tpu.memory_space<any>> -> memref<64x8192xi8, #tpu.memory_space<any>>
    tpu.enqueue_dma source(%arg2 : memref<64x8192xi8, #tpu.memory_space<vmem>>) target(%dma_start3A_437 : memref<64x8192xi8, #tpu.memory_space<any>>) target_semaphore(%arg4 : memref<!tpu.dma_semaphore, #tpu.memory_space<semaphore_mem>>)
    %dma_start3A_438 = arith.constant 7360 : i32
    %dma_start3A_439 = arith.constant 0 : i32
    %dma_start3A_440 = tpu.memref_slice %arg1[%dma_start3A_438, %dma_start3A_439] : memref<8192x8192xi8, #tpu.memory_space<any>> -> memref<64x8192xi8, #tpu.memory_space<any>>
    tpu.enqueue_dma source(%arg2 : memref<64x8192xi8, #tpu.memory_space<vmem>>) target(%dma_start3A_440 : memref<64x8192xi8, #tpu.memory_space<any>>) target_semaphore(%arg4 : memref<!tpu.dma_semaphore, #tpu.memory_space<semaphore_mem>>)
    %dma_start3A_441 = arith.constant 7424 : i32
    %dma_start3A_442 = arith.constant 0 : i32
    %dma_start3A_443 = tpu.memref_slice %arg1[%dma_start3A_441, %dma_start3A_442] : memref<8192x8192xi8, #tpu.memory_space<any>> -> memref<64x8192xi8, #tpu.memory_space<any>>
    tpu.enqueue_dma source(%arg2 : memref<64x8192xi8, #tpu.memory_space<vmem>>) target(%dma_start3A_443 : memref<64x8192xi8, #tpu.memory_space<any>>) target_semaphore(%arg4 : memref<!tpu.dma_semaphore, #tpu.memory_space<semaphore_mem>>)
    %dma_start3A_444 = arith.constant 7488 : i32
    %dma_start3A_445 = arith.constant 0 : i32
    %dma_start3A_446 = tpu.memref_slice %arg1[%dma_start3A_444, %dma_start3A_445] : memref<8192x8192xi8, #tpu.memory_space<any>> -> memref<64x8192xi8, #tpu.memory_space<any>>
    tpu.enqueue_dma source(%arg2 : memref<64x8192xi8, #tpu.memory_space<vmem>>) target(%dma_start3A_446 : memref<64x8192xi8, #tpu.memory_space<any>>) target_semaphore(%arg4 : memref<!tpu.dma_semaphore, #tpu.memory_space<semaphore_mem>>)
    %dma_start3A_447 = arith.constant 7552 : i32
    %dma_start3A_448 = arith.constant 0 : i32
    %dma_start3A_449 = tpu.memref_slice %arg1[%dma_start3A_447, %dma_start3A_448] : memref<8192x8192xi8, #tpu.memory_space<any>> -> memref<64x8192xi8, #tpu.memory_space<any>>
    tpu.enqueue_dma source(%arg2 : memref<64x8192xi8, #tpu.memory_space<vmem>>) target(%dma_start3A_449 : memref<64x8192xi8, #tpu.memory_space<any>>) target_semaphore(%arg4 : memref<!tpu.dma_semaphore, #tpu.memory_space<semaphore_mem>>)
    %dma_start3A_450 = arith.constant 7616 : i32
    %dma_start3A_451 = arith.constant 0 : i32
    %dma_start3A_452 = tpu.memref_slice %arg1[%dma_start3A_450, %dma_start3A_451] : memref<8192x8192xi8, #tpu.memory_space<any>> -> memref<64x8192xi8, #tpu.memory_space<any>>
    tpu.enqueue_dma source(%arg2 : memref<64x8192xi8, #tpu.memory_space<vmem>>) target(%dma_start3A_452 : memref<64x8192xi8, #tpu.memory_space<any>>) target_semaphore(%arg4 : memref<!tpu.dma_semaphore, #tpu.memory_space<semaphore_mem>>)
    %dma_start3A_453 = arith.constant 7680 : i32
    %dma_start3A_454 = arith.constant 0 : i32
    %dma_start3A_455 = tpu.memref_slice %arg1[%dma_start3A_453, %dma_start3A_454] : memref<8192x8192xi8, #tpu.memory_space<any>> -> memref<64x8192xi8, #tpu.memory_space<any>>
    tpu.enqueue_dma source(%arg2 : memref<64x8192xi8, #tpu.memory_space<vmem>>) target(%dma_start3A_455 : memref<64x8192xi8, #tpu.memory_space<any>>) target_semaphore(%arg4 : memref<!tpu.dma_semaphore, #tpu.memory_space<semaphore_mem>>)
    %dma_start3A_456 = arith.constant 7744 : i32
    %dma_start3A_457 = arith.constant 0 : i32
    %dma_start3A_458 = tpu.memref_slice %arg1[%dma_start3A_456, %dma_start3A_457] : memref<8192x8192xi8, #tpu.memory_space<any>> -> memref<64x8192xi8, #tpu.memory_space<any>>
    tpu.enqueue_dma source(%arg2 : memref<64x8192xi8, #tpu.memory_space<vmem>>) target(%dma_start3A_458 : memref<64x8192xi8, #tpu.memory_space<any>>) target_semaphore(%arg4 : memref<!tpu.dma_semaphore, #tpu.memory_space<semaphore_mem>>)
    %dma_start3A_459 = arith.constant 7808 : i32
    %dma_start3A_460 = arith.constant 0 : i32
    %dma_start3A_461 = tpu.memref_slice %arg1[%dma_start3A_459, %dma_start3A_460] : memref<8192x8192xi8, #tpu.memory_space<any>> -> memref<64x8192xi8, #tpu.memory_space<any>>
    tpu.enqueue_dma source(%arg2 : memref<64x8192xi8, #tpu.memory_space<vmem>>) target(%dma_start3A_461 : memref<64x8192xi8, #tpu.memory_space<any>>) target_semaphore(%arg4 : memref<!tpu.dma_semaphore, #tpu.memory_space<semaphore_mem>>)
    %dma_start3A_462 = arith.constant 7872 : i32
    %dma_start3A_463 = arith.constant 0 : i32
    %dma_start3A_464 = tpu.memref_slice %arg1[%dma_start3A_462, %dma_start3A_463] : memref<8192x8192xi8, #tpu.memory_space<any>> -> memref<64x8192xi8, #tpu.memory_space<any>>
    tpu.enqueue_dma source(%arg2 : memref<64x8192xi8, #tpu.memory_space<vmem>>) target(%dma_start3A_464 : memref<64x8192xi8, #tpu.memory_space<any>>) target_semaphore(%arg4 : memref<!tpu.dma_semaphore, #tpu.memory_space<semaphore_mem>>)
    %dma_start3A_465 = arith.constant 7936 : i32
    %dma_start3A_466 = arith.constant 0 : i32
    %dma_start3A_467 = tpu.memref_slice %arg1[%dma_start3A_465, %dma_start3A_466] : memref<8192x8192xi8, #tpu.memory_space<any>> -> memref<64x8192xi8, #tpu.memory_space<any>>
    tpu.enqueue_dma source(%arg2 : memref<64x8192xi8, #tpu.memory_space<vmem>>) target(%dma_start3A_467 : memref<64x8192xi8, #tpu.memory_space<any>>) target_semaphore(%arg4 : memref<!tpu.dma_semaphore, #tpu.memory_space<semaphore_mem>>)
    %dma_start3A_468 = arith.constant 8000 : i32
    %dma_start3A_469 = arith.constant 0 : i32
    %dma_start3A_470 = tpu.memref_slice %arg1[%dma_start3A_468, %dma_start3A_469] : memref<8192x8192xi8, #tpu.memory_space<any>> -> memref<64x8192xi8, #tpu.memory_space<any>>
    tpu.enqueue_dma source(%arg2 : memref<64x8192xi8, #tpu.memory_space<vmem>>) target(%dma_start3A_470 : memref<64x8192xi8, #tpu.memory_space<any>>) target_semaphore(%arg4 : memref<!tpu.dma_semaphore, #tpu.memory_space<semaphore_mem>>)
    %dma_start3A_471 = arith.constant 8064 : i32
    %dma_start3A_472 = arith.constant 0 : i32
    %dma_start3A_473 = tpu.memref_slice %arg1[%dma_start3A_471, %dma_start3A_472] : memref<8192x8192xi8, #tpu.memory_space<any>> -> memref<64x8192xi8, #tpu.memory_space<any>>
    tpu.enqueue_dma source(%arg2 : memref<64x8192xi8, #tpu.memory_space<vmem>>) target(%dma_start3A_473 : memref<64x8192xi8, #tpu.memory_space<any>>) target_semaphore(%arg4 : memref<!tpu.dma_semaphore, #tpu.memory_space<semaphore_mem>>)
    %dma_start3A_474 = arith.constant 8128 : i32
    %dma_start3A_475 = arith.constant 0 : i32
    %dma_start3A_476 = tpu.memref_slice %arg1[%dma_start3A_474, %dma_start3A_475] : memref<8192x8192xi8, #tpu.memory_space<any>> -> memref<64x8192xi8, #tpu.memory_space<any>>
    tpu.enqueue_dma source(%arg2 : memref<64x8192xi8, #tpu.memory_space<vmem>>) target(%dma_start3A_476 : memref<64x8192xi8, #tpu.memory_space<any>>) target_semaphore(%arg4 : memref<!tpu.dma_semaphore, #tpu.memory_space<semaphore_mem>>)
    %dma_wait3A = arith.constant 0 : i32
    %dma_wait3A_477 = arith.constant 0 : i32
    %dma_wait3A_478 = tpu.memref_slice %arg1[%dma_wait3A, %dma_wait3A_477] : memref<8192x8192xi8, #tpu.memory_space<any>> -> memref<64x8192xi8, #tpu.memory_space<any>>
    tpu.wait_dma2 semaphore(%arg4 : memref<!tpu.dma_semaphore, #tpu.memory_space<semaphore_mem>>) src(%arg2 : memref<64x8192xi8, #tpu.memory_space<vmem>>) dst(%dma_wait3A_478 : memref<64x8192xi8, #tpu.memory_space<any>>)
    %dma_wait3A_479 = arith.constant 64 : i32
    %dma_wait3A_480 = arith.constant 0 : i32
    %dma_wait3A_481 = tpu.memref_slice %arg1[%dma_wait3A_479, %dma_wait3A_480] : memref<8192x8192xi8, #tpu.memory_space<any>> -> memref<64x8192xi8, #tpu.memory_space<any>>
    tpu.wait_dma2 semaphore(%arg4 : memref<!tpu.dma_semaphore, #tpu.memory_space<semaphore_mem>>) src(%arg2 : memref<64x8192xi8, #tpu.memory_space<vmem>>) dst(%dma_wait3A_481 : memref<64x8192xi8, #tpu.memory_space<any>>)
    %dma_wait3A_482 = arith.constant 128 : i32
    %dma_wait3A_483 = arith.constant 0 : i32
    %dma_wait3A_484 = tpu.memref_slice %arg1[%dma_wait3A_482, %dma_wait3A_483] : memref<8192x8192xi8, #tpu.memory_space<any>> -> memref<64x8192xi8, #tpu.memory_space<any>>
    tpu.wait_dma2 semaphore(%arg4 : memref<!tpu.dma_semaphore, #tpu.memory_space<semaphore_mem>>) src(%arg2 : memref<64x8192xi8, #tpu.memory_space<vmem>>) dst(%dma_wait3A_484 : memref<64x8192xi8, #tpu.memory_space<any>>)
    %dma_wait3A_485 = arith.constant 192 : i32
    %dma_wait3A_486 = arith.constant 0 : i32
    %dma_wait3A_487 = tpu.memref_slice %arg1[%dma_wait3A_485, %dma_wait3A_486] : memref<8192x8192xi8, #tpu.memory_space<any>> -> memref<64x8192xi8, #tpu.memory_space<any>>
    tpu.wait_dma2 semaphore(%arg4 : memref<!tpu.dma_semaphore, #tpu.memory_space<semaphore_mem>>) src(%arg2 : memref<64x8192xi8, #tpu.memory_space<vmem>>) dst(%dma_wait3A_487 : memref<64x8192xi8, #tpu.memory_space<any>>)
    %dma_wait3A_488 = arith.constant 256 : i32
    %dma_wait3A_489 = arith.constant 0 : i32
    %dma_wait3A_490 = tpu.memref_slice %arg1[%dma_wait3A_488, %dma_wait3A_489] : memref<8192x8192xi8, #tpu.memory_space<any>> -> memref<64x8192xi8, #tpu.memory_space<any>>
    tpu.wait_dma2 semaphore(%arg4 : memref<!tpu.dma_semaphore, #tpu.memory_space<semaphore_mem>>) src(%arg2 : memref<64x8192xi8, #tpu.memory_space<vmem>>) dst(%dma_wait3A_490 : memref<64x8192xi8, #tpu.memory_space<any>>)
    %dma_wait3A_491 = arith.constant 320 : i32
    %dma_wait3A_492 = arith.constant 0 : i32
    %dma_wait3A_493 = tpu.memref_slice %arg1[%dma_wait3A_491, %dma_wait3A_492] : memref<8192x8192xi8, #tpu.memory_space<any>> -> memref<64x8192xi8, #tpu.memory_space<any>>
    tpu.wait_dma2 semaphore(%arg4 : memref<!tpu.dma_semaphore, #tpu.memory_space<semaphore_mem>>) src(%arg2 : memref<64x8192xi8, #tpu.memory_space<vmem>>) dst(%dma_wait3A_493 : memref<64x8192xi8, #tpu.memory_space<any>>)
    %dma_wait3A_494 = arith.constant 384 : i32
    %dma_wait3A_495 = arith.constant 0 : i32
    %dma_wait3A_496 = tpu.memref_slice %arg1[%dma_wait3A_494, %dma_wait3A_495] : memref<8192x8192xi8, #tpu.memory_space<any>> -> memref<64x8192xi8, #tpu.memory_space<any>>
    tpu.wait_dma2 semaphore(%arg4 : memref<!tpu.dma_semaphore, #tpu.memory_space<semaphore_mem>>) src(%arg2 : memref<64x8192xi8, #tpu.memory_space<vmem>>) dst(%dma_wait3A_496 : memref<64x8192xi8, #tpu.memory_space<any>>)
    %dma_wait3A_497 = arith.constant 448 : i32
    %dma_wait3A_498 = arith.constant 0 : i32
    %dma_wait3A_499 = tpu.memref_slice %arg1[%dma_wait3A_497, %dma_wait3A_498] : memref<8192x8192xi8, #tpu.memory_space<any>> -> memref<64x8192xi8, #tpu.memory_space<any>>
    tpu.wait_dma2 semaphore(%arg4 : memref<!tpu.dma_semaphore, #tpu.memory_space<semaphore_mem>>) src(%arg2 : memref<64x8192xi8, #tpu.memory_space<vmem>>) dst(%dma_wait3A_499 : memref<64x8192xi8, #tpu.memory_space<any>>)
    %dma_wait3A_500 = arith.constant 512 : i32
    %dma_wait3A_501 = arith.constant 0 : i32
    %dma_wait3A_502 = tpu.memref_slice %arg1[%dma_wait3A_500, %dma_wait3A_501] : memref<8192x8192xi8, #tpu.memory_space<any>> -> memref<64x8192xi8, #tpu.memory_space<any>>
    tpu.wait_dma2 semaphore(%arg4 : memref<!tpu.dma_semaphore, #tpu.memory_space<semaphore_mem>>) src(%arg2 : memref<64x8192xi8, #tpu.memory_space<vmem>>) dst(%dma_wait3A_502 : memref<64x8192xi8, #tpu.memory_space<any>>)
    %dma_wait3A_503 = arith.constant 576 : i32
    %dma_wait3A_504 = arith.constant 0 : i32
    %dma_wait3A_505 = tpu.memref_slice %arg1[%dma_wait3A_503, %dma_wait3A_504] : memref<8192x8192xi8, #tpu.memory_space<any>> -> memref<64x8192xi8, #tpu.memory_space<any>>
    tpu.wait_dma2 semaphore(%arg4 : memref<!tpu.dma_semaphore, #tpu.memory_space<semaphore_mem>>) src(%arg2 : memref<64x8192xi8, #tpu.memory_space<vmem>>) dst(%dma_wait3A_505 : memref<64x8192xi8, #tpu.memory_space<any>>)
    %dma_wait3A_506 = arith.constant 640 : i32
    %dma_wait3A_507 = arith.constant 0 : i32
    %dma_wait3A_508 = tpu.memref_slice %arg1[%dma_wait3A_506, %dma_wait3A_507] : memref<8192x8192xi8, #tpu.memory_space<any>> -> memref<64x8192xi8, #tpu.memory_space<any>>
    tpu.wait_dma2 semaphore(%arg4 : memref<!tpu.dma_semaphore, #tpu.memory_space<semaphore_mem>>) src(%arg2 : memref<64x8192xi8, #tpu.memory_space<vmem>>) dst(%dma_wait3A_508 : memref<64x8192xi8, #tpu.memory_space<any>>)
    %dma_wait3A_509 = arith.constant 704 : i32
    %dma_wait3A_510 = arith.constant 0 : i32
    %dma_wait3A_511 = tpu.memref_slice %arg1[%dma_wait3A_509, %dma_wait3A_510] : memref<8192x8192xi8, #tpu.memory_space<any>> -> memref<64x8192xi8, #tpu.memory_space<any>>
    tpu.wait_dma2 semaphore(%arg4 : memref<!tpu.dma_semaphore, #tpu.memory_space<semaphore_mem>>) src(%arg2 : memref<64x8192xi8, #tpu.memory_space<vmem>>) dst(%dma_wait3A_511 : memref<64x8192xi8, #tpu.memory_space<any>>)
    %dma_wait3A_512 = arith.constant 768 : i32
    %dma_wait3A_513 = arith.constant 0 : i32
    %dma_wait3A_514 = tpu.memref_slice %arg1[%dma_wait3A_512, %dma_wait3A_513] : memref<8192x8192xi8, #tpu.memory_space<any>> -> memref<64x8192xi8, #tpu.memory_space<any>>
    tpu.wait_dma2 semaphore(%arg4 : memref<!tpu.dma_semaphore, #tpu.memory_space<semaphore_mem>>) src(%arg2 : memref<64x8192xi8, #tpu.memory_space<vmem>>) dst(%dma_wait3A_514 : memref<64x8192xi8, #tpu.memory_space<any>>)
    %dma_wait3A_515 = arith.constant 832 : i32
    %dma_wait3A_516 = arith.constant 0 : i32
    %dma_wait3A_517 = tpu.memref_slice %arg1[%dma_wait3A_515, %dma_wait3A_516] : memref<8192x8192xi8, #tpu.memory_space<any>> -> memref<64x8192xi8, #tpu.memory_space<any>>
    tpu.wait_dma2 semaphore(%arg4 : memref<!tpu.dma_semaphore, #tpu.memory_space<semaphore_mem>>) src(%arg2 : memref<64x8192xi8, #tpu.memory_space<vmem>>) dst(%dma_wait3A_517 : memref<64x8192xi8, #tpu.memory_space<any>>)
    %dma_wait3A_518 = arith.constant 896 : i32
    %dma_wait3A_519 = arith.constant 0 : i32
    %dma_wait3A_520 = tpu.memref_slice %arg1[%dma_wait3A_518, %dma_wait3A_519] : memref<8192x8192xi8, #tpu.memory_space<any>> -> memref<64x8192xi8, #tpu.memory_space<any>>
    tpu.wait_dma2 semaphore(%arg4 : memref<!tpu.dma_semaphore, #tpu.memory_space<semaphore_mem>>) src(%arg2 : memref<64x8192xi8, #tpu.memory_space<vmem>>) dst(%dma_wait3A_520 : memref<64x8192xi8, #tpu.memory_space<any>>)
    %dma_wait3A_521 = arith.constant 960 : i32
    %dma_wait3A_522 = arith.constant 0 : i32
    %dma_wait3A_523 = tpu.memref_slice %arg1[%dma_wait3A_521, %dma_wait3A_522] : memref<8192x8192xi8, #tpu.memory_space<any>> -> memref<64x8192xi8, #tpu.memory_space<any>>
    tpu.wait_dma2 semaphore(%arg4 : memref<!tpu.dma_semaphore, #tpu.memory_space<semaphore_mem>>) src(%arg2 : memref<64x8192xi8, #tpu.memory_space<vmem>>) dst(%dma_wait3A_523 : memref<64x8192xi8, #tpu.memory_space<any>>)
    %dma_wait3A_524 = arith.constant 1024 : i32
    %dma_wait3A_525 = arith.constant 0 : i32
    %dma_wait3A_526 = tpu.memref_slice %arg1[%dma_wait3A_524, %dma_wait3A_525] : memref<8192x8192xi8, #tpu.memory_space<any>> -> memref<64x8192xi8, #tpu.memory_space<any>>
    tpu.wait_dma2 semaphore(%arg4 : memref<!tpu.dma_semaphore, #tpu.memory_space<semaphore_mem>>) src(%arg2 : memref<64x8192xi8, #tpu.memory_space<vmem>>) dst(%dma_wait3A_526 : memref<64x8192xi8, #tpu.memory_space<any>>)
    %dma_wait3A_527 = arith.constant 1088 : i32
    %dma_wait3A_528 = arith.constant 0 : i32
    %dma_wait3A_529 = tpu.memref_slice %arg1[%dma_wait3A_527, %dma_wait3A_528] : memref<8192x8192xi8, #tpu.memory_space<any>> -> memref<64x8192xi8, #tpu.memory_space<any>>
    tpu.wait_dma2 semaphore(%arg4 : memref<!tpu.dma_semaphore, #tpu.memory_space<semaphore_mem>>) src(%arg2 : memref<64x8192xi8, #tpu.memory_space<vmem>>) dst(%dma_wait3A_529 : memref<64x8192xi8, #tpu.memory_space<any>>)
    %dma_wait3A_530 = arith.constant 1152 : i32
    %dma_wait3A_531 = arith.constant 0 : i32
    %dma_wait3A_532 = tpu.memref_slice %arg1[%dma_wait3A_530, %dma_wait3A_531] : memref<8192x8192xi8, #tpu.memory_space<any>> -> memref<64x8192xi8, #tpu.memory_space<any>>
    tpu.wait_dma2 semaphore(%arg4 : memref<!tpu.dma_semaphore, #tpu.memory_space<semaphore_mem>>) src(%arg2 : memref<64x8192xi8, #tpu.memory_space<vmem>>) dst(%dma_wait3A_532 : memref<64x8192xi8, #tpu.memory_space<any>>)
    %dma_wait3A_533 = arith.constant 1216 : i32
    %dma_wait3A_534 = arith.constant 0 : i32
    %dma_wait3A_535 = tpu.memref_slice %arg1[%dma_wait3A_533, %dma_wait3A_534] : memref<8192x8192xi8, #tpu.memory_space<any>> -> memref<64x8192xi8, #tpu.memory_space<any>>
    tpu.wait_dma2 semaphore(%arg4 : memref<!tpu.dma_semaphore, #tpu.memory_space<semaphore_mem>>) src(%arg2 : memref<64x8192xi8, #tpu.memory_space<vmem>>) dst(%dma_wait3A_535 : memref<64x8192xi8, #tpu.memory_space<any>>)
    %dma_wait3A_536 = arith.constant 1280 : i32
    %dma_wait3A_537 = arith.constant 0 : i32
    %dma_wait3A_538 = tpu.memref_slice %arg1[%dma_wait3A_536, %dma_wait3A_537] : memref<8192x8192xi8, #tpu.memory_space<any>> -> memref<64x8192xi8, #tpu.memory_space<any>>
    tpu.wait_dma2 semaphore(%arg4 : memref<!tpu.dma_semaphore, #tpu.memory_space<semaphore_mem>>) src(%arg2 : memref<64x8192xi8, #tpu.memory_space<vmem>>) dst(%dma_wait3A_538 : memref<64x8192xi8, #tpu.memory_space<any>>)
    %dma_wait3A_539 = arith.constant 1344 : i32
    %dma_wait3A_540 = arith.constant 0 : i32
    %dma_wait3A_541 = tpu.memref_slice %arg1[%dma_wait3A_539, %dma_wait3A_540] : memref<8192x8192xi8, #tpu.memory_space<any>> -> memref<64x8192xi8, #tpu.memory_space<any>>
    tpu.wait_dma2 semaphore(%arg4 : memref<!tpu.dma_semaphore, #tpu.memory_space<semaphore_mem>>) src(%arg2 : memref<64x8192xi8, #tpu.memory_space<vmem>>) dst(%dma_wait3A_541 : memref<64x8192xi8, #tpu.memory_space<any>>)
    %dma_wait3A_542 = arith.constant 1408 : i32
    %dma_wait3A_543 = arith.constant 0 : i32
    %dma_wait3A_544 = tpu.memref_slice %arg1[%dma_wait3A_542, %dma_wait3A_543] : memref<8192x8192xi8, #tpu.memory_space<any>> -> memref<64x8192xi8, #tpu.memory_space<any>>
    tpu.wait_dma2 semaphore(%arg4 : memref<!tpu.dma_semaphore, #tpu.memory_space<semaphore_mem>>) src(%arg2 : memref<64x8192xi8, #tpu.memory_space<vmem>>) dst(%dma_wait3A_544 : memref<64x8192xi8, #tpu.memory_space<any>>)
    %dma_wait3A_545 = arith.constant 1472 : i32
    %dma_wait3A_546 = arith.constant 0 : i32
    %dma_wait3A_547 = tpu.memref_slice %arg1[%dma_wait3A_545, %dma_wait3A_546] : memref<8192x8192xi8, #tpu.memory_space<any>> -> memref<64x8192xi8, #tpu.memory_space<any>>
    tpu.wait_dma2 semaphore(%arg4 : memref<!tpu.dma_semaphore, #tpu.memory_space<semaphore_mem>>) src(%arg2 : memref<64x8192xi8, #tpu.memory_space<vmem>>) dst(%dma_wait3A_547 : memref<64x8192xi8, #tpu.memory_space<any>>)
    %dma_wait3A_548 = arith.constant 1536 : i32
    %dma_wait3A_549 = arith.constant 0 : i32
    %dma_wait3A_550 = tpu.memref_slice %arg1[%dma_wait3A_548, %dma_wait3A_549] : memref<8192x8192xi8, #tpu.memory_space<any>> -> memref<64x8192xi8, #tpu.memory_space<any>>
    tpu.wait_dma2 semaphore(%arg4 : memref<!tpu.dma_semaphore, #tpu.memory_space<semaphore_mem>>) src(%arg2 : memref<64x8192xi8, #tpu.memory_space<vmem>>) dst(%dma_wait3A_550 : memref<64x8192xi8, #tpu.memory_space<any>>)
    %dma_wait3A_551 = arith.constant 1600 : i32
    %dma_wait3A_552 = arith.constant 0 : i32
    %dma_wait3A_553 = tpu.memref_slice %arg1[%dma_wait3A_551, %dma_wait3A_552] : memref<8192x8192xi8, #tpu.memory_space<any>> -> memref<64x8192xi8, #tpu.memory_space<any>>
    tpu.wait_dma2 semaphore(%arg4 : memref<!tpu.dma_semaphore, #tpu.memory_space<semaphore_mem>>) src(%arg2 : memref<64x8192xi8, #tpu.memory_space<vmem>>) dst(%dma_wait3A_553 : memref<64x8192xi8, #tpu.memory_space<any>>)
    %dma_wait3A_554 = arith.constant 1664 : i32
    %dma_wait3A_555 = arith.constant 0 : i32
    %dma_wait3A_556 = tpu.memref_slice %arg1[%dma_wait3A_554, %dma_wait3A_555] : memref<8192x8192xi8, #tpu.memory_space<any>> -> memref<64x8192xi8, #tpu.memory_space<any>>
    tpu.wait_dma2 semaphore(%arg4 : memref<!tpu.dma_semaphore, #tpu.memory_space<semaphore_mem>>) src(%arg2 : memref<64x8192xi8, #tpu.memory_space<vmem>>) dst(%dma_wait3A_556 : memref<64x8192xi8, #tpu.memory_space<any>>)
    %dma_wait3A_557 = arith.constant 1728 : i32
    %dma_wait3A_558 = arith.constant 0 : i32
    %dma_wait3A_559 = tpu.memref_slice %arg1[%dma_wait3A_557, %dma_wait3A_558] : memref<8192x8192xi8, #tpu.memory_space<any>> -> memref<64x8192xi8, #tpu.memory_space<any>>
    tpu.wait_dma2 semaphore(%arg4 : memref<!tpu.dma_semaphore, #tpu.memory_space<semaphore_mem>>) src(%arg2 : memref<64x8192xi8, #tpu.memory_space<vmem>>) dst(%dma_wait3A_559 : memref<64x8192xi8, #tpu.memory_space<any>>)
    %dma_wait3A_560 = arith.constant 1792 : i32
    %dma_wait3A_561 = arith.constant 0 : i32
    %dma_wait3A_562 = tpu.memref_slice %arg1[%dma_wait3A_560, %dma_wait3A_561] : memref<8192x8192xi8, #tpu.memory_space<any>> -> memref<64x8192xi8, #tpu.memory_space<any>>
    tpu.wait_dma2 semaphore(%arg4 : memref<!tpu.dma_semaphore, #tpu.memory_space<semaphore_mem>>) src(%arg2 : memref<64x8192xi8, #tpu.memory_space<vmem>>) dst(%dma_wait3A_562 : memref<64x8192xi8, #tpu.memory_space<any>>)
    %dma_wait3A_563 = arith.constant 1856 : i32
    %dma_wait3A_564 = arith.constant 0 : i32
    %dma_wait3A_565 = tpu.memref_slice %arg1[%dma_wait3A_563, %dma_wait3A_564] : memref<8192x8192xi8, #tpu.memory_space<any>> -> memref<64x8192xi8, #tpu.memory_space<any>>
    tpu.wait_dma2 semaphore(%arg4 : memref<!tpu.dma_semaphore, #tpu.memory_space<semaphore_mem>>) src(%arg2 : memref<64x8192xi8, #tpu.memory_space<vmem>>) dst(%dma_wait3A_565 : memref<64x8192xi8, #tpu.memory_space<any>>)
    %dma_wait3A_566 = arith.constant 1920 : i32
    %dma_wait3A_567 = arith.constant 0 : i32
    %dma_wait3A_568 = tpu.memref_slice %arg1[%dma_wait3A_566, %dma_wait3A_567] : memref<8192x8192xi8, #tpu.memory_space<any>> -> memref<64x8192xi8, #tpu.memory_space<any>>
    tpu.wait_dma2 semaphore(%arg4 : memref<!tpu.dma_semaphore, #tpu.memory_space<semaphore_mem>>) src(%arg2 : memref<64x8192xi8, #tpu.memory_space<vmem>>) dst(%dma_wait3A_568 : memref<64x8192xi8, #tpu.memory_space<any>>)
    %dma_wait3A_569 = arith.constant 1984 : i32
    %dma_wait3A_570 = arith.constant 0 : i32
    %dma_wait3A_571 = tpu.memref_slice %arg1[%dma_wait3A_569, %dma_wait3A_570] : memref<8192x8192xi8, #tpu.memory_space<any>> -> memref<64x8192xi8, #tpu.memory_space<any>>
    tpu.wait_dma2 semaphore(%arg4 : memref<!tpu.dma_semaphore, #tpu.memory_space<semaphore_mem>>) src(%arg2 : memref<64x8192xi8, #tpu.memory_space<vmem>>) dst(%dma_wait3A_571 : memref<64x8192xi8, #tpu.memory_space<any>>)
    %dma_wait3A_572 = arith.constant 2048 : i32
    %dma_wait3A_573 = arith.constant 0 : i32
    %dma_wait3A_574 = tpu.memref_slice %arg1[%dma_wait3A_572, %dma_wait3A_573] : memref<8192x8192xi8, #tpu.memory_space<any>> -> memref<64x8192xi8, #tpu.memory_space<any>>
    tpu.wait_dma2 semaphore(%arg4 : memref<!tpu.dma_semaphore, #tpu.memory_space<semaphore_mem>>) src(%arg2 : memref<64x8192xi8, #tpu.memory_space<vmem>>) dst(%dma_wait3A_574 : memref<64x8192xi8, #tpu.memory_space<any>>)
    %dma_wait3A_575 = arith.constant 2112 : i32
    %dma_wait3A_576 = arith.constant 0 : i32
    %dma_wait3A_577 = tpu.memref_slice %arg1[%dma_wait3A_575, %dma_wait3A_576] : memref<8192x8192xi8, #tpu.memory_space<any>> -> memref<64x8192xi8, #tpu.memory_space<any>>
    tpu.wait_dma2 semaphore(%arg4 : memref<!tpu.dma_semaphore, #tpu.memory_space<semaphore_mem>>) src(%arg2 : memref<64x8192xi8, #tpu.memory_space<vmem>>) dst(%dma_wait3A_577 : memref<64x8192xi8, #tpu.memory_space<any>>)
    %dma_wait3A_578 = arith.constant 2176 : i32
    %dma_wait3A_579 = arith.constant 0 : i32
    %dma_wait3A_580 = tpu.memref_slice %arg1[%dma_wait3A_578, %dma_wait3A_579] : memref<8192x8192xi8, #tpu.memory_space<any>> -> memref<64x8192xi8, #tpu.memory_space<any>>
    tpu.wait_dma2 semaphore(%arg4 : memref<!tpu.dma_semaphore, #tpu.memory_space<semaphore_mem>>) src(%arg2 : memref<64x8192xi8, #tpu.memory_space<vmem>>) dst(%dma_wait3A_580 : memref<64x8192xi8, #tpu.memory_space<any>>)
    %dma_wait3A_581 = arith.constant 2240 : i32
    %dma_wait3A_582 = arith.constant 0 : i32
    %dma_wait3A_583 = tpu.memref_slice %arg1[%dma_wait3A_581, %dma_wait3A_582] : memref<8192x8192xi8, #tpu.memory_space<any>> -> memref<64x8192xi8, #tpu.memory_space<any>>
    tpu.wait_dma2 semaphore(%arg4 : memref<!tpu.dma_semaphore, #tpu.memory_space<semaphore_mem>>) src(%arg2 : memref<64x8192xi8, #tpu.memory_space<vmem>>) dst(%dma_wait3A_583 : memref<64x8192xi8, #tpu.memory_space<any>>)
    %dma_wait3A_584 = arith.constant 2304 : i32
    %dma_wait3A_585 = arith.constant 0 : i32
    %dma_wait3A_586 = tpu.memref_slice %arg1[%dma_wait3A_584, %dma_wait3A_585] : memref<8192x8192xi8, #tpu.memory_space<any>> -> memref<64x8192xi8, #tpu.memory_space<any>>
    tpu.wait_dma2 semaphore(%arg4 : memref<!tpu.dma_semaphore, #tpu.memory_space<semaphore_mem>>) src(%arg2 : memref<64x8192xi8, #tpu.memory_space<vmem>>) dst(%dma_wait3A_586 : memref<64x8192xi8, #tpu.memory_space<any>>)
    %dma_wait3A_587 = arith.constant 2368 : i32
    %dma_wait3A_588 = arith.constant 0 : i32
    %dma_wait3A_589 = tpu.memref_slice %arg1[%dma_wait3A_587, %dma_wait3A_588] : memref<8192x8192xi8, #tpu.memory_space<any>> -> memref<64x8192xi8, #tpu.memory_space<any>>
    tpu.wait_dma2 semaphore(%arg4 : memref<!tpu.dma_semaphore, #tpu.memory_space<semaphore_mem>>) src(%arg2 : memref<64x8192xi8, #tpu.memory_space<vmem>>) dst(%dma_wait3A_589 : memref<64x8192xi8, #tpu.memory_space<any>>)
    %dma_wait3A_590 = arith.constant 2432 : i32
    %dma_wait3A_591 = arith.constant 0 : i32
    %dma_wait3A_592 = tpu.memref_slice %arg1[%dma_wait3A_590, %dma_wait3A_591] : memref<8192x8192xi8, #tpu.memory_space<any>> -> memref<64x8192xi8, #tpu.memory_space<any>>
    tpu.wait_dma2 semaphore(%arg4 : memref<!tpu.dma_semaphore, #tpu.memory_space<semaphore_mem>>) src(%arg2 : memref<64x8192xi8, #tpu.memory_space<vmem>>) dst(%dma_wait3A_592 : memref<64x8192xi8, #tpu.memory_space<any>>)
    %dma_wait3A_593 = arith.constant 2496 : i32
    %dma_wait3A_594 = arith.constant 0 : i32
    %dma_wait3A_595 = tpu.memref_slice %arg1[%dma_wait3A_593, %dma_wait3A_594] : memref<8192x8192xi8, #tpu.memory_space<any>> -> memref<64x8192xi8, #tpu.memory_space<any>>
    tpu.wait_dma2 semaphore(%arg4 : memref<!tpu.dma_semaphore, #tpu.memory_space<semaphore_mem>>) src(%arg2 : memref<64x8192xi8, #tpu.memory_space<vmem>>) dst(%dma_wait3A_595 : memref<64x8192xi8, #tpu.memory_space<any>>)
    %dma_wait3A_596 = arith.constant 2560 : i32
    %dma_wait3A_597 = arith.constant 0 : i32
    %dma_wait3A_598 = tpu.memref_slice %arg1[%dma_wait3A_596, %dma_wait3A_597] : memref<8192x8192xi8, #tpu.memory_space<any>> -> memref<64x8192xi8, #tpu.memory_space<any>>
    tpu.wait_dma2 semaphore(%arg4 : memref<!tpu.dma_semaphore, #tpu.memory_space<semaphore_mem>>) src(%arg2 : memref<64x8192xi8, #tpu.memory_space<vmem>>) dst(%dma_wait3A_598 : memref<64x8192xi8, #tpu.memory_space<any>>)
    %dma_wait3A_599 = arith.constant 2624 : i32
    %dma_wait3A_600 = arith.constant 0 : i32
    %dma_wait3A_601 = tpu.memref_slice %arg1[%dma_wait3A_599, %dma_wait3A_600] : memref<8192x8192xi8, #tpu.memory_space<any>> -> memref<64x8192xi8, #tpu.memory_space<any>>
    tpu.wait_dma2 semaphore(%arg4 : memref<!tpu.dma_semaphore, #tpu.memory_space<semaphore_mem>>) src(%arg2 : memref<64x8192xi8, #tpu.memory_space<vmem>>) dst(%dma_wait3A_601 : memref<64x8192xi8, #tpu.memory_space<any>>)
    %dma_wait3A_602 = arith.constant 2688 : i32
    %dma_wait3A_603 = arith.constant 0 : i32
    %dma_wait3A_604 = tpu.memref_slice %arg1[%dma_wait3A_602, %dma_wait3A_603] : memref<8192x8192xi8, #tpu.memory_space<any>> -> memref<64x8192xi8, #tpu.memory_space<any>>
    tpu.wait_dma2 semaphore(%arg4 : memref<!tpu.dma_semaphore, #tpu.memory_space<semaphore_mem>>) src(%arg2 : memref<64x8192xi8, #tpu.memory_space<vmem>>) dst(%dma_wait3A_604 : memref<64x8192xi8, #tpu.memory_space<any>>)
    %dma_wait3A_605 = arith.constant 2752 : i32
    %dma_wait3A_606 = arith.constant 0 : i32
    %dma_wait3A_607 = tpu.memref_slice %arg1[%dma_wait3A_605, %dma_wait3A_606] : memref<8192x8192xi8, #tpu.memory_space<any>> -> memref<64x8192xi8, #tpu.memory_space<any>>
    tpu.wait_dma2 semaphore(%arg4 : memref<!tpu.dma_semaphore, #tpu.memory_space<semaphore_mem>>) src(%arg2 : memref<64x8192xi8, #tpu.memory_space<vmem>>) dst(%dma_wait3A_607 : memref<64x8192xi8, #tpu.memory_space<any>>)
    %dma_wait3A_608 = arith.constant 2816 : i32
    %dma_wait3A_609 = arith.constant 0 : i32
    %dma_wait3A_610 = tpu.memref_slice %arg1[%dma_wait3A_608, %dma_wait3A_609] : memref<8192x8192xi8, #tpu.memory_space<any>> -> memref<64x8192xi8, #tpu.memory_space<any>>
    tpu.wait_dma2 semaphore(%arg4 : memref<!tpu.dma_semaphore, #tpu.memory_space<semaphore_mem>>) src(%arg2 : memref<64x8192xi8, #tpu.memory_space<vmem>>) dst(%dma_wait3A_610 : memref<64x8192xi8, #tpu.memory_space<any>>)
    %dma_wait3A_611 = arith.constant 2880 : i32
    %dma_wait3A_612 = arith.constant 0 : i32
    %dma_wait3A_613 = tpu.memref_slice %arg1[%dma_wait3A_611, %dma_wait3A_612] : memref<8192x8192xi8, #tpu.memory_space<any>> -> memref<64x8192xi8, #tpu.memory_space<any>>
    tpu.wait_dma2 semaphore(%arg4 : memref<!tpu.dma_semaphore, #tpu.memory_space<semaphore_mem>>) src(%arg2 : memref<64x8192xi8, #tpu.memory_space<vmem>>) dst(%dma_wait3A_613 : memref<64x8192xi8, #tpu.memory_space<any>>)
    %dma_wait3A_614 = arith.constant 2944 : i32
    %dma_wait3A_615 = arith.constant 0 : i32
    %dma_wait3A_616 = tpu.memref_slice %arg1[%dma_wait3A_614, %dma_wait3A_615] : memref<8192x8192xi8, #tpu.memory_space<any>> -> memref<64x8192xi8, #tpu.memory_space<any>>
    tpu.wait_dma2 semaphore(%arg4 : memref<!tpu.dma_semaphore, #tpu.memory_space<semaphore_mem>>) src(%arg2 : memref<64x8192xi8, #tpu.memory_space<vmem>>) dst(%dma_wait3A_616 : memref<64x8192xi8, #tpu.memory_space<any>>)
    %dma_wait3A_617 = arith.constant 3008 : i32
    %dma_wait3A_618 = arith.constant 0 : i32
    %dma_wait3A_619 = tpu.memref_slice %arg1[%dma_wait3A_617, %dma_wait3A_618] : memref<8192x8192xi8, #tpu.memory_space<any>> -> memref<64x8192xi8, #tpu.memory_space<any>>
    tpu.wait_dma2 semaphore(%arg4 : memref<!tpu.dma_semaphore, #tpu.memory_space<semaphore_mem>>) src(%arg2 : memref<64x8192xi8, #tpu.memory_space<vmem>>) dst(%dma_wait3A_619 : memref<64x8192xi8, #tpu.memory_space<any>>)
    %dma_wait3A_620 = arith.constant 3072 : i32
    %dma_wait3A_621 = arith.constant 0 : i32
    %dma_wait3A_622 = tpu.memref_slice %arg1[%dma_wait3A_620, %dma_wait3A_621] : memref<8192x8192xi8, #tpu.memory_space<any>> -> memref<64x8192xi8, #tpu.memory_space<any>>
    tpu.wait_dma2 semaphore(%arg4 : memref<!tpu.dma_semaphore, #tpu.memory_space<semaphore_mem>>) src(%arg2 : memref<64x8192xi8, #tpu.memory_space<vmem>>) dst(%dma_wait3A_622 : memref<64x8192xi8, #tpu.memory_space<any>>)
    %dma_wait3A_623 = arith.constant 3136 : i32
    %dma_wait3A_624 = arith.constant 0 : i32
    %dma_wait3A_625 = tpu.memref_slice %arg1[%dma_wait3A_623, %dma_wait3A_624] : memref<8192x8192xi8, #tpu.memory_space<any>> -> memref<64x8192xi8, #tpu.memory_space<any>>
    tpu.wait_dma2 semaphore(%arg4 : memref<!tpu.dma_semaphore, #tpu.memory_space<semaphore_mem>>) src(%arg2 : memref<64x8192xi8, #tpu.memory_space<vmem>>) dst(%dma_wait3A_625 : memref<64x8192xi8, #tpu.memory_space<any>>)
    %dma_wait3A_626 = arith.constant 3200 : i32
    %dma_wait3A_627 = arith.constant 0 : i32
    %dma_wait3A_628 = tpu.memref_slice %arg1[%dma_wait3A_626, %dma_wait3A_627] : memref<8192x8192xi8, #tpu.memory_space<any>> -> memref<64x8192xi8, #tpu.memory_space<any>>
    tpu.wait_dma2 semaphore(%arg4 : memref<!tpu.dma_semaphore, #tpu.memory_space<semaphore_mem>>) src(%arg2 : memref<64x8192xi8, #tpu.memory_space<vmem>>) dst(%dma_wait3A_628 : memref<64x8192xi8, #tpu.memory_space<any>>)
    %dma_wait3A_629 = arith.constant 3264 : i32
    %dma_wait3A_630 = arith.constant 0 : i32
    %dma_wait3A_631 = tpu.memref_slice %arg1[%dma_wait3A_629, %dma_wait3A_630] : memref<8192x8192xi8, #tpu.memory_space<any>> -> memref<64x8192xi8, #tpu.memory_space<any>>
    tpu.wait_dma2 semaphore(%arg4 : memref<!tpu.dma_semaphore, #tpu.memory_space<semaphore_mem>>) src(%arg2 : memref<64x8192xi8, #tpu.memory_space<vmem>>) dst(%dma_wait3A_631 : memref<64x8192xi8, #tpu.memory_space<any>>)
    %dma_wait3A_632 = arith.constant 3328 : i32
    %dma_wait3A_633 = arith.constant 0 : i32
    %dma_wait3A_634 = tpu.memref_slice %arg1[%dma_wait3A_632, %dma_wait3A_633] : memref<8192x8192xi8, #tpu.memory_space<any>> -> memref<64x8192xi8, #tpu.memory_space<any>>
    tpu.wait_dma2 semaphore(%arg4 : memref<!tpu.dma_semaphore, #tpu.memory_space<semaphore_mem>>) src(%arg2 : memref<64x8192xi8, #tpu.memory_space<vmem>>) dst(%dma_wait3A_634 : memref<64x8192xi8, #tpu.memory_space<any>>)
    %dma_wait3A_635 = arith.constant 3392 : i32
    %dma_wait3A_636 = arith.constant 0 : i32
    %dma_wait3A_637 = tpu.memref_slice %arg1[%dma_wait3A_635, %dma_wait3A_636] : memref<8192x8192xi8, #tpu.memory_space<any>> -> memref<64x8192xi8, #tpu.memory_space<any>>
    tpu.wait_dma2 semaphore(%arg4 : memref<!tpu.dma_semaphore, #tpu.memory_space<semaphore_mem>>) src(%arg2 : memref<64x8192xi8, #tpu.memory_space<vmem>>) dst(%dma_wait3A_637 : memref<64x8192xi8, #tpu.memory_space<any>>)
    %dma_wait3A_638 = arith.constant 3456 : i32
    %dma_wait3A_639 = arith.constant 0 : i32
    %dma_wait3A_640 = tpu.memref_slice %arg1[%dma_wait3A_638, %dma_wait3A_639] : memref<8192x8192xi8, #tpu.memory_space<any>> -> memref<64x8192xi8, #tpu.memory_space<any>>
    tpu.wait_dma2 semaphore(%arg4 : memref<!tpu.dma_semaphore, #tpu.memory_space<semaphore_mem>>) src(%arg2 : memref<64x8192xi8, #tpu.memory_space<vmem>>) dst(%dma_wait3A_640 : memref<64x8192xi8, #tpu.memory_space<any>>)
    %dma_wait3A_641 = arith.constant 3520 : i32
    %dma_wait3A_642 = arith.constant 0 : i32
    %dma_wait3A_643 = tpu.memref_slice %arg1[%dma_wait3A_641, %dma_wait3A_642] : memref<8192x8192xi8, #tpu.memory_space<any>> -> memref<64x8192xi8, #tpu.memory_space<any>>
    tpu.wait_dma2 semaphore(%arg4 : memref<!tpu.dma_semaphore, #tpu.memory_space<semaphore_mem>>) src(%arg2 : memref<64x8192xi8, #tpu.memory_space<vmem>>) dst(%dma_wait3A_643 : memref<64x8192xi8, #tpu.memory_space<any>>)
    %dma_wait3A_644 = arith.constant 3584 : i32
    %dma_wait3A_645 = arith.constant 0 : i32
    %dma_wait3A_646 = tpu.memref_slice %arg1[%dma_wait3A_644, %dma_wait3A_645] : memref<8192x8192xi8, #tpu.memory_space<any>> -> memref<64x8192xi8, #tpu.memory_space<any>>
    tpu.wait_dma2 semaphore(%arg4 : memref<!tpu.dma_semaphore, #tpu.memory_space<semaphore_mem>>) src(%arg2 : memref<64x8192xi8, #tpu.memory_space<vmem>>) dst(%dma_wait3A_646 : memref<64x8192xi8, #tpu.memory_space<any>>)
    %dma_wait3A_647 = arith.constant 3648 : i32
    %dma_wait3A_648 = arith.constant 0 : i32
    %dma_wait3A_649 = tpu.memref_slice %arg1[%dma_wait3A_647, %dma_wait3A_648] : memref<8192x8192xi8, #tpu.memory_space<any>> -> memref<64x8192xi8, #tpu.memory_space<any>>
    tpu.wait_dma2 semaphore(%arg4 : memref<!tpu.dma_semaphore, #tpu.memory_space<semaphore_mem>>) src(%arg2 : memref<64x8192xi8, #tpu.memory_space<vmem>>) dst(%dma_wait3A_649 : memref<64x8192xi8, #tpu.memory_space<any>>)
    %dma_wait3A_650 = arith.constant 3712 : i32
    %dma_wait3A_651 = arith.constant 0 : i32
    %dma_wait3A_652 = tpu.memref_slice %arg1[%dma_wait3A_650, %dma_wait3A_651] : memref<8192x8192xi8, #tpu.memory_space<any>> -> memref<64x8192xi8, #tpu.memory_space<any>>
    tpu.wait_dma2 semaphore(%arg4 : memref<!tpu.dma_semaphore, #tpu.memory_space<semaphore_mem>>) src(%arg2 : memref<64x8192xi8, #tpu.memory_space<vmem>>) dst(%dma_wait3A_652 : memref<64x8192xi8, #tpu.memory_space<any>>)
    %dma_wait3A_653 = arith.constant 3776 : i32
    %dma_wait3A_654 = arith.constant 0 : i32
    %dma_wait3A_655 = tpu.memref_slice %arg1[%dma_wait3A_653, %dma_wait3A_654] : memref<8192x8192xi8, #tpu.memory_space<any>> -> memref<64x8192xi8, #tpu.memory_space<any>>
    tpu.wait_dma2 semaphore(%arg4 : memref<!tpu.dma_semaphore, #tpu.memory_space<semaphore_mem>>) src(%arg2 : memref<64x8192xi8, #tpu.memory_space<vmem>>) dst(%dma_wait3A_655 : memref<64x8192xi8, #tpu.memory_space<any>>)
    %dma_wait3A_656 = arith.constant 3840 : i32
    %dma_wait3A_657 = arith.constant 0 : i32
    %dma_wait3A_658 = tpu.memref_slice %arg1[%dma_wait3A_656, %dma_wait3A_657] : memref<8192x8192xi8, #tpu.memory_space<any>> -> memref<64x8192xi8, #tpu.memory_space<any>>
    tpu.wait_dma2 semaphore(%arg4 : memref<!tpu.dma_semaphore, #tpu.memory_space<semaphore_mem>>) src(%arg2 : memref<64x8192xi8, #tpu.memory_space<vmem>>) dst(%dma_wait3A_658 : memref<64x8192xi8, #tpu.memory_space<any>>)
    %dma_wait3A_659 = arith.constant 3904 : i32
    %dma_wait3A_660 = arith.constant 0 : i32
    %dma_wait3A_661 = tpu.memref_slice %arg1[%dma_wait3A_659, %dma_wait3A_660] : memref<8192x8192xi8, #tpu.memory_space<any>> -> memref<64x8192xi8, #tpu.memory_space<any>>
    tpu.wait_dma2 semaphore(%arg4 : memref<!tpu.dma_semaphore, #tpu.memory_space<semaphore_mem>>) src(%arg2 : memref<64x8192xi8, #tpu.memory_space<vmem>>) dst(%dma_wait3A_661 : memref<64x8192xi8, #tpu.memory_space<any>>)
    %dma_wait3A_662 = arith.constant 3968 : i32
    %dma_wait3A_663 = arith.constant 0 : i32
    %dma_wait3A_664 = tpu.memref_slice %arg1[%dma_wait3A_662, %dma_wait3A_663] : memref<8192x8192xi8, #tpu.memory_space<any>> -> memref<64x8192xi8, #tpu.memory_space<any>>
    tpu.wait_dma2 semaphore(%arg4 : memref<!tpu.dma_semaphore, #tpu.memory_space<semaphore_mem>>) src(%arg2 : memref<64x8192xi8, #tpu.memory_space<vmem>>) dst(%dma_wait3A_664 : memref<64x8192xi8, #tpu.memory_space<any>>)
    %dma_wait3A_665 = arith.constant 4032 : i32
    %dma_wait3A_666 = arith.constant 0 : i32
    %dma_wait3A_667 = tpu.memref_slice %arg1[%dma_wait3A_665, %dma_wait3A_666] : memref<8192x8192xi8, #tpu.memory_space<any>> -> memref<64x8192xi8, #tpu.memory_space<any>>
    tpu.wait_dma2 semaphore(%arg4 : memref<!tpu.dma_semaphore, #tpu.memory_space<semaphore_mem>>) src(%arg2 : memref<64x8192xi8, #tpu.memory_space<vmem>>) dst(%dma_wait3A_667 : memref<64x8192xi8, #tpu.memory_space<any>>)
    %dma_wait3A_668 = arith.constant 4096 : i32
    %dma_wait3A_669 = arith.constant 0 : i32
    %dma_wait3A_670 = tpu.memref_slice %arg1[%dma_wait3A_668, %dma_wait3A_669] : memref<8192x8192xi8, #tpu.memory_space<any>> -> memref<64x8192xi8, #tpu.memory_space<any>>
    tpu.wait_dma2 semaphore(%arg4 : memref<!tpu.dma_semaphore, #tpu.memory_space<semaphore_mem>>) src(%arg2 : memref<64x8192xi8, #tpu.memory_space<vmem>>) dst(%dma_wait3A_670 : memref<64x8192xi8, #tpu.memory_space<any>>)
    %dma_wait3A_671 = arith.constant 4160 : i32
    %dma_wait3A_672 = arith.constant 0 : i32
    %dma_wait3A_673 = tpu.memref_slice %arg1[%dma_wait3A_671, %dma_wait3A_672] : memref<8192x8192xi8, #tpu.memory_space<any>> -> memref<64x8192xi8, #tpu.memory_space<any>>
    tpu.wait_dma2 semaphore(%arg4 : memref<!tpu.dma_semaphore, #tpu.memory_space<semaphore_mem>>) src(%arg2 : memref<64x8192xi8, #tpu.memory_space<vmem>>) dst(%dma_wait3A_673 : memref<64x8192xi8, #tpu.memory_space<any>>)
    %dma_wait3A_674 = arith.constant 4224 : i32
    %dma_wait3A_675 = arith.constant 0 : i32
    %dma_wait3A_676 = tpu.memref_slice %arg1[%dma_wait3A_674, %dma_wait3A_675] : memref<8192x8192xi8, #tpu.memory_space<any>> -> memref<64x8192xi8, #tpu.memory_space<any>>
    tpu.wait_dma2 semaphore(%arg4 : memref<!tpu.dma_semaphore, #tpu.memory_space<semaphore_mem>>) src(%arg2 : memref<64x8192xi8, #tpu.memory_space<vmem>>) dst(%dma_wait3A_676 : memref<64x8192xi8, #tpu.memory_space<any>>)
    %dma_wait3A_677 = arith.constant 4288 : i32
    %dma_wait3A_678 = arith.constant 0 : i32
    %dma_wait3A_679 = tpu.memref_slice %arg1[%dma_wait3A_677, %dma_wait3A_678] : memref<8192x8192xi8, #tpu.memory_space<any>> -> memref<64x8192xi8, #tpu.memory_space<any>>
    tpu.wait_dma2 semaphore(%arg4 : memref<!tpu.dma_semaphore, #tpu.memory_space<semaphore_mem>>) src(%arg2 : memref<64x8192xi8, #tpu.memory_space<vmem>>) dst(%dma_wait3A_679 : memref<64x8192xi8, #tpu.memory_space<any>>)
    %dma_wait3A_680 = arith.constant 4352 : i32
    %dma_wait3A_681 = arith.constant 0 : i32
    %dma_wait3A_682 = tpu.memref_slice %arg1[%dma_wait3A_680, %dma_wait3A_681] : memref<8192x8192xi8, #tpu.memory_space<any>> -> memref<64x8192xi8, #tpu.memory_space<any>>
    tpu.wait_dma2 semaphore(%arg4 : memref<!tpu.dma_semaphore, #tpu.memory_space<semaphore_mem>>) src(%arg2 : memref<64x8192xi8, #tpu.memory_space<vmem>>) dst(%dma_wait3A_682 : memref<64x8192xi8, #tpu.memory_space<any>>)
    %dma_wait3A_683 = arith.constant 4416 : i32
    %dma_wait3A_684 = arith.constant 0 : i32
    %dma_wait3A_685 = tpu.memref_slice %arg1[%dma_wait3A_683, %dma_wait3A_684] : memref<8192x8192xi8, #tpu.memory_space<any>> -> memref<64x8192xi8, #tpu.memory_space<any>>
    tpu.wait_dma2 semaphore(%arg4 : memref<!tpu.dma_semaphore, #tpu.memory_space<semaphore_mem>>) src(%arg2 : memref<64x8192xi8, #tpu.memory_space<vmem>>) dst(%dma_wait3A_685 : memref<64x8192xi8, #tpu.memory_space<any>>)
    %dma_wait3A_686 = arith.constant 4480 : i32
    %dma_wait3A_687 = arith.constant 0 : i32
    %dma_wait3A_688 = tpu.memref_slice %arg1[%dma_wait3A_686, %dma_wait3A_687] : memref<8192x8192xi8, #tpu.memory_space<any>> -> memref<64x8192xi8, #tpu.memory_space<any>>
    tpu.wait_dma2 semaphore(%arg4 : memref<!tpu.dma_semaphore, #tpu.memory_space<semaphore_mem>>) src(%arg2 : memref<64x8192xi8, #tpu.memory_space<vmem>>) dst(%dma_wait3A_688 : memref<64x8192xi8, #tpu.memory_space<any>>)
    %dma_wait3A_689 = arith.constant 4544 : i32
    %dma_wait3A_690 = arith.constant 0 : i32
    %dma_wait3A_691 = tpu.memref_slice %arg1[%dma_wait3A_689, %dma_wait3A_690] : memref<8192x8192xi8, #tpu.memory_space<any>> -> memref<64x8192xi8, #tpu.memory_space<any>>
    tpu.wait_dma2 semaphore(%arg4 : memref<!tpu.dma_semaphore, #tpu.memory_space<semaphore_mem>>) src(%arg2 : memref<64x8192xi8, #tpu.memory_space<vmem>>) dst(%dma_wait3A_691 : memref<64x8192xi8, #tpu.memory_space<any>>)
    %dma_wait3A_692 = arith.constant 4608 : i32
    %dma_wait3A_693 = arith.constant 0 : i32
    %dma_wait3A_694 = tpu.memref_slice %arg1[%dma_wait3A_692, %dma_wait3A_693] : memref<8192x8192xi8, #tpu.memory_space<any>> -> memref<64x8192xi8, #tpu.memory_space<any>>
    tpu.wait_dma2 semaphore(%arg4 : memref<!tpu.dma_semaphore, #tpu.memory_space<semaphore_mem>>) src(%arg2 : memref<64x8192xi8, #tpu.memory_space<vmem>>) dst(%dma_wait3A_694 : memref<64x8192xi8, #tpu.memory_space<any>>)
    %dma_wait3A_695 = arith.constant 4672 : i32
    %dma_wait3A_696 = arith.constant 0 : i32
    %dma_wait3A_697 = tpu.memref_slice %arg1[%dma_wait3A_695, %dma_wait3A_696] : memref<8192x8192xi8, #tpu.memory_space<any>> -> memref<64x8192xi8, #tpu.memory_space<any>>
    tpu.wait_dma2 semaphore(%arg4 : memref<!tpu.dma_semaphore, #tpu.memory_space<semaphore_mem>>) src(%arg2 : memref<64x8192xi8, #tpu.memory_space<vmem>>) dst(%dma_wait3A_697 : memref<64x8192xi8, #tpu.memory_space<any>>)
    %dma_wait3A_698 = arith.constant 4736 : i32
    %dma_wait3A_699 = arith.constant 0 : i32
    %dma_wait3A_700 = tpu.memref_slice %arg1[%dma_wait3A_698, %dma_wait3A_699] : memref<8192x8192xi8, #tpu.memory_space<any>> -> memref<64x8192xi8, #tpu.memory_space<any>>
    tpu.wait_dma2 semaphore(%arg4 : memref<!tpu.dma_semaphore, #tpu.memory_space<semaphore_mem>>) src(%arg2 : memref<64x8192xi8, #tpu.memory_space<vmem>>) dst(%dma_wait3A_700 : memref<64x8192xi8, #tpu.memory_space<any>>)
    %dma_wait3A_701 = arith.constant 4800 : i32
    %dma_wait3A_702 = arith.constant 0 : i32
    %dma_wait3A_703 = tpu.memref_slice %arg1[%dma_wait3A_701, %dma_wait3A_702] : memref<8192x8192xi8, #tpu.memory_space<any>> -> memref<64x8192xi8, #tpu.memory_space<any>>
    tpu.wait_dma2 semaphore(%arg4 : memref<!tpu.dma_semaphore, #tpu.memory_space<semaphore_mem>>) src(%arg2 : memref<64x8192xi8, #tpu.memory_space<vmem>>) dst(%dma_wait3A_703 : memref<64x8192xi8, #tpu.memory_space<any>>)
    %dma_wait3A_704 = arith.constant 4864 : i32
    %dma_wait3A_705 = arith.constant 0 : i32
    %dma_wait3A_706 = tpu.memref_slice %arg1[%dma_wait3A_704, %dma_wait3A_705] : memref<8192x8192xi8, #tpu.memory_space<any>> -> memref<64x8192xi8, #tpu.memory_space<any>>
    tpu.wait_dma2 semaphore(%arg4 : memref<!tpu.dma_semaphore, #tpu.memory_space<semaphore_mem>>) src(%arg2 : memref<64x8192xi8, #tpu.memory_space<vmem>>) dst(%dma_wait3A_706 : memref<64x8192xi8, #tpu.memory_space<any>>)
    %dma_wait3A_707 = arith.constant 4928 : i32
    %dma_wait3A_708 = arith.constant 0 : i32
    %dma_wait3A_709 = tpu.memref_slice %arg1[%dma_wait3A_707, %dma_wait3A_708] : memref<8192x8192xi8, #tpu.memory_space<any>> -> memref<64x8192xi8, #tpu.memory_space<any>>
    tpu.wait_dma2 semaphore(%arg4 : memref<!tpu.dma_semaphore, #tpu.memory_space<semaphore_mem>>) src(%arg2 : memref<64x8192xi8, #tpu.memory_space<vmem>>) dst(%dma_wait3A_709 : memref<64x8192xi8, #tpu.memory_space<any>>)
    %dma_wait3A_710 = arith.constant 4992 : i32
    %dma_wait3A_711 = arith.constant 0 : i32
    %dma_wait3A_712 = tpu.memref_slice %arg1[%dma_wait3A_710, %dma_wait3A_711] : memref<8192x8192xi8, #tpu.memory_space<any>> -> memref<64x8192xi8, #tpu.memory_space<any>>
    tpu.wait_dma2 semaphore(%arg4 : memref<!tpu.dma_semaphore, #tpu.memory_space<semaphore_mem>>) src(%arg2 : memref<64x8192xi8, #tpu.memory_space<vmem>>) dst(%dma_wait3A_712 : memref<64x8192xi8, #tpu.memory_space<any>>)
    %dma_wait3A_713 = arith.constant 5056 : i32
    %dma_wait3A_714 = arith.constant 0 : i32
    %dma_wait3A_715 = tpu.memref_slice %arg1[%dma_wait3A_713, %dma_wait3A_714] : memref<8192x8192xi8, #tpu.memory_space<any>> -> memref<64x8192xi8, #tpu.memory_space<any>>
    tpu.wait_dma2 semaphore(%arg4 : memref<!tpu.dma_semaphore, #tpu.memory_space<semaphore_mem>>) src(%arg2 : memref<64x8192xi8, #tpu.memory_space<vmem>>) dst(%dma_wait3A_715 : memref<64x8192xi8, #tpu.memory_space<any>>)
    %dma_wait3A_716 = arith.constant 5120 : i32
    %dma_wait3A_717 = arith.constant 0 : i32
    %dma_wait3A_718 = tpu.memref_slice %arg1[%dma_wait3A_716, %dma_wait3A_717] : memref<8192x8192xi8, #tpu.memory_space<any>> -> memref<64x8192xi8, #tpu.memory_space<any>>
    tpu.wait_dma2 semaphore(%arg4 : memref<!tpu.dma_semaphore, #tpu.memory_space<semaphore_mem>>) src(%arg2 : memref<64x8192xi8, #tpu.memory_space<vmem>>) dst(%dma_wait3A_718 : memref<64x8192xi8, #tpu.memory_space<any>>)
    %dma_wait3A_719 = arith.constant 5184 : i32
    %dma_wait3A_720 = arith.constant 0 : i32
    %dma_wait3A_721 = tpu.memref_slice %arg1[%dma_wait3A_719, %dma_wait3A_720] : memref<8192x8192xi8, #tpu.memory_space<any>> -> memref<64x8192xi8, #tpu.memory_space<any>>
    tpu.wait_dma2 semaphore(%arg4 : memref<!tpu.dma_semaphore, #tpu.memory_space<semaphore_mem>>) src(%arg2 : memref<64x8192xi8, #tpu.memory_space<vmem>>) dst(%dma_wait3A_721 : memref<64x8192xi8, #tpu.memory_space<any>>)
    %dma_wait3A_722 = arith.constant 5248 : i32
    %dma_wait3A_723 = arith.constant 0 : i32
    %dma_wait3A_724 = tpu.memref_slice %arg1[%dma_wait3A_722, %dma_wait3A_723] : memref<8192x8192xi8, #tpu.memory_space<any>> -> memref<64x8192xi8, #tpu.memory_space<any>>
    tpu.wait_dma2 semaphore(%arg4 : memref<!tpu.dma_semaphore, #tpu.memory_space<semaphore_mem>>) src(%arg2 : memref<64x8192xi8, #tpu.memory_space<vmem>>) dst(%dma_wait3A_724 : memref<64x8192xi8, #tpu.memory_space<any>>)
    %dma_wait3A_725 = arith.constant 5312 : i32
    %dma_wait3A_726 = arith.constant 0 : i32
    %dma_wait3A_727 = tpu.memref_slice %arg1[%dma_wait3A_725, %dma_wait3A_726] : memref<8192x8192xi8, #tpu.memory_space<any>> -> memref<64x8192xi8, #tpu.memory_space<any>>
    tpu.wait_dma2 semaphore(%arg4 : memref<!tpu.dma_semaphore, #tpu.memory_space<semaphore_mem>>) src(%arg2 : memref<64x8192xi8, #tpu.memory_space<vmem>>) dst(%dma_wait3A_727 : memref<64x8192xi8, #tpu.memory_space<any>>)
    %dma_wait3A_728 = arith.constant 5376 : i32
    %dma_wait3A_729 = arith.constant 0 : i32
    %dma_wait3A_730 = tpu.memref_slice %arg1[%dma_wait3A_728, %dma_wait3A_729] : memref<8192x8192xi8, #tpu.memory_space<any>> -> memref<64x8192xi8, #tpu.memory_space<any>>
    tpu.wait_dma2 semaphore(%arg4 : memref<!tpu.dma_semaphore, #tpu.memory_space<semaphore_mem>>) src(%arg2 : memref<64x8192xi8, #tpu.memory_space<vmem>>) dst(%dma_wait3A_730 : memref<64x8192xi8, #tpu.memory_space<any>>)
    %dma_wait3A_731 = arith.constant 5440 : i32
    %dma_wait3A_732 = arith.constant 0 : i32
    %dma_wait3A_733 = tpu.memref_slice %arg1[%dma_wait3A_731, %dma_wait3A_732] : memref<8192x8192xi8, #tpu.memory_space<any>> -> memref<64x8192xi8, #tpu.memory_space<any>>
    tpu.wait_dma2 semaphore(%arg4 : memref<!tpu.dma_semaphore, #tpu.memory_space<semaphore_mem>>) src(%arg2 : memref<64x8192xi8, #tpu.memory_space<vmem>>) dst(%dma_wait3A_733 : memref<64x8192xi8, #tpu.memory_space<any>>)
    %dma_wait3A_734 = arith.constant 5504 : i32
    %dma_wait3A_735 = arith.constant 0 : i32
    %dma_wait3A_736 = tpu.memref_slice %arg1[%dma_wait3A_734, %dma_wait3A_735] : memref<8192x8192xi8, #tpu.memory_space<any>> -> memref<64x8192xi8, #tpu.memory_space<any>>
    tpu.wait_dma2 semaphore(%arg4 : memref<!tpu.dma_semaphore, #tpu.memory_space<semaphore_mem>>) src(%arg2 : memref<64x8192xi8, #tpu.memory_space<vmem>>) dst(%dma_wait3A_736 : memref<64x8192xi8, #tpu.memory_space<any>>)
    %dma_wait3A_737 = arith.constant 5568 : i32
    %dma_wait3A_738 = arith.constant 0 : i32
    %dma_wait3A_739 = tpu.memref_slice %arg1[%dma_wait3A_737, %dma_wait3A_738] : memref<8192x8192xi8, #tpu.memory_space<any>> -> memref<64x8192xi8, #tpu.memory_space<any>>
    tpu.wait_dma2 semaphore(%arg4 : memref<!tpu.dma_semaphore, #tpu.memory_space<semaphore_mem>>) src(%arg2 : memref<64x8192xi8, #tpu.memory_space<vmem>>) dst(%dma_wait3A_739 : memref<64x8192xi8, #tpu.memory_space<any>>)
    %dma_wait3A_740 = arith.constant 5632 : i32
    %dma_wait3A_741 = arith.constant 0 : i32
    %dma_wait3A_742 = tpu.memref_slice %arg1[%dma_wait3A_740, %dma_wait3A_741] : memref<8192x8192xi8, #tpu.memory_space<any>> -> memref<64x8192xi8, #tpu.memory_space<any>>
    tpu.wait_dma2 semaphore(%arg4 : memref<!tpu.dma_semaphore, #tpu.memory_space<semaphore_mem>>) src(%arg2 : memref<64x8192xi8, #tpu.memory_space<vmem>>) dst(%dma_wait3A_742 : memref<64x8192xi8, #tpu.memory_space<any>>)
    %dma_wait3A_743 = arith.constant 5696 : i32
    %dma_wait3A_744 = arith.constant 0 : i32
    %dma_wait3A_745 = tpu.memref_slice %arg1[%dma_wait3A_743, %dma_wait3A_744] : memref<8192x8192xi8, #tpu.memory_space<any>> -> memref<64x8192xi8, #tpu.memory_space<any>>
    tpu.wait_dma2 semaphore(%arg4 : memref<!tpu.dma_semaphore, #tpu.memory_space<semaphore_mem>>) src(%arg2 : memref<64x8192xi8, #tpu.memory_space<vmem>>) dst(%dma_wait3A_745 : memref<64x8192xi8, #tpu.memory_space<any>>)
    %dma_wait3A_746 = arith.constant 5760 : i32
    %dma_wait3A_747 = arith.constant 0 : i32
    %dma_wait3A_748 = tpu.memref_slice %arg1[%dma_wait3A_746, %dma_wait3A_747] : memref<8192x8192xi8, #tpu.memory_space<any>> -> memref<64x8192xi8, #tpu.memory_space<any>>
    tpu.wait_dma2 semaphore(%arg4 : memref<!tpu.dma_semaphore, #tpu.memory_space<semaphore_mem>>) src(%arg2 : memref<64x8192xi8, #tpu.memory_space<vmem>>) dst(%dma_wait3A_748 : memref<64x8192xi8, #tpu.memory_space<any>>)
    %dma_wait3A_749 = arith.constant 5824 : i32
    %dma_wait3A_750 = arith.constant 0 : i32
    %dma_wait3A_751 = tpu.memref_slice %arg1[%dma_wait3A_749, %dma_wait3A_750] : memref<8192x8192xi8, #tpu.memory_space<any>> -> memref<64x8192xi8, #tpu.memory_space<any>>
    tpu.wait_dma2 semaphore(%arg4 : memref<!tpu.dma_semaphore, #tpu.memory_space<semaphore_mem>>) src(%arg2 : memref<64x8192xi8, #tpu.memory_space<vmem>>) dst(%dma_wait3A_751 : memref<64x8192xi8, #tpu.memory_space<any>>)
    %dma_wait3A_752 = arith.constant 5888 : i32
    %dma_wait3A_753 = arith.constant 0 : i32
    %dma_wait3A_754 = tpu.memref_slice %arg1[%dma_wait3A_752, %dma_wait3A_753] : memref<8192x8192xi8, #tpu.memory_space<any>> -> memref<64x8192xi8, #tpu.memory_space<any>>
    tpu.wait_dma2 semaphore(%arg4 : memref<!tpu.dma_semaphore, #tpu.memory_space<semaphore_mem>>) src(%arg2 : memref<64x8192xi8, #tpu.memory_space<vmem>>) dst(%dma_wait3A_754 : memref<64x8192xi8, #tpu.memory_space<any>>)
    %dma_wait3A_755 = arith.constant 5952 : i32
    %dma_wait3A_756 = arith.constant 0 : i32
    %dma_wait3A_757 = tpu.memref_slice %arg1[%dma_wait3A_755, %dma_wait3A_756] : memref<8192x8192xi8, #tpu.memory_space<any>> -> memref<64x8192xi8, #tpu.memory_space<any>>
    tpu.wait_dma2 semaphore(%arg4 : memref<!tpu.dma_semaphore, #tpu.memory_space<semaphore_mem>>) src(%arg2 : memref<64x8192xi8, #tpu.memory_space<vmem>>) dst(%dma_wait3A_757 : memref<64x8192xi8, #tpu.memory_space<any>>)
    %dma_wait3A_758 = arith.constant 6016 : i32
    %dma_wait3A_759 = arith.constant 0 : i32
    %dma_wait3A_760 = tpu.memref_slice %arg1[%dma_wait3A_758, %dma_wait3A_759] : memref<8192x8192xi8, #tpu.memory_space<any>> -> memref<64x8192xi8, #tpu.memory_space<any>>
    tpu.wait_dma2 semaphore(%arg4 : memref<!tpu.dma_semaphore, #tpu.memory_space<semaphore_mem>>) src(%arg2 : memref<64x8192xi8, #tpu.memory_space<vmem>>) dst(%dma_wait3A_760 : memref<64x8192xi8, #tpu.memory_space<any>>)
    %dma_wait3A_761 = arith.constant 6080 : i32
    %dma_wait3A_762 = arith.constant 0 : i32
    %dma_wait3A_763 = tpu.memref_slice %arg1[%dma_wait3A_761, %dma_wait3A_762] : memref<8192x8192xi8, #tpu.memory_space<any>> -> memref<64x8192xi8, #tpu.memory_space<any>>
    tpu.wait_dma2 semaphore(%arg4 : memref<!tpu.dma_semaphore, #tpu.memory_space<semaphore_mem>>) src(%arg2 : memref<64x8192xi8, #tpu.memory_space<vmem>>) dst(%dma_wait3A_763 : memref<64x8192xi8, #tpu.memory_space<any>>)
    %dma_wait3A_764 = arith.constant 6144 : i32
    %dma_wait3A_765 = arith.constant 0 : i32
    %dma_wait3A_766 = tpu.memref_slice %arg1[%dma_wait3A_764, %dma_wait3A_765] : memref<8192x8192xi8, #tpu.memory_space<any>> -> memref<64x8192xi8, #tpu.memory_space<any>>
    tpu.wait_dma2 semaphore(%arg4 : memref<!tpu.dma_semaphore, #tpu.memory_space<semaphore_mem>>) src(%arg2 : memref<64x8192xi8, #tpu.memory_space<vmem>>) dst(%dma_wait3A_766 : memref<64x8192xi8, #tpu.memory_space<any>>)
    %dma_wait3A_767 = arith.constant 6208 : i32
    %dma_wait3A_768 = arith.constant 0 : i32
    %dma_wait3A_769 = tpu.memref_slice %arg1[%dma_wait3A_767, %dma_wait3A_768] : memref<8192x8192xi8, #tpu.memory_space<any>> -> memref<64x8192xi8, #tpu.memory_space<any>>
    tpu.wait_dma2 semaphore(%arg4 : memref<!tpu.dma_semaphore, #tpu.memory_space<semaphore_mem>>) src(%arg2 : memref<64x8192xi8, #tpu.memory_space<vmem>>) dst(%dma_wait3A_769 : memref<64x8192xi8, #tpu.memory_space<any>>)
    %dma_wait3A_770 = arith.constant 6272 : i32
    %dma_wait3A_771 = arith.constant 0 : i32
    %dma_wait3A_772 = tpu.memref_slice %arg1[%dma_wait3A_770, %dma_wait3A_771] : memref<8192x8192xi8, #tpu.memory_space<any>> -> memref<64x8192xi8, #tpu.memory_space<any>>
    tpu.wait_dma2 semaphore(%arg4 : memref<!tpu.dma_semaphore, #tpu.memory_space<semaphore_mem>>) src(%arg2 : memref<64x8192xi8, #tpu.memory_space<vmem>>) dst(%dma_wait3A_772 : memref<64x8192xi8, #tpu.memory_space<any>>)
    %dma_wait3A_773 = arith.constant 6336 : i32
    %dma_wait3A_774 = arith.constant 0 : i32
    %dma_wait3A_775 = tpu.memref_slice %arg1[%dma_wait3A_773, %dma_wait3A_774] : memref<8192x8192xi8, #tpu.memory_space<any>> -> memref<64x8192xi8, #tpu.memory_space<any>>
    tpu.wait_dma2 semaphore(%arg4 : memref<!tpu.dma_semaphore, #tpu.memory_space<semaphore_mem>>) src(%arg2 : memref<64x8192xi8, #tpu.memory_space<vmem>>) dst(%dma_wait3A_775 : memref<64x8192xi8, #tpu.memory_space<any>>)
    %dma_wait3A_776 = arith.constant 6400 : i32
    %dma_wait3A_777 = arith.constant 0 : i32
    %dma_wait3A_778 = tpu.memref_slice %arg1[%dma_wait3A_776, %dma_wait3A_777] : memref<8192x8192xi8, #tpu.memory_space<any>> -> memref<64x8192xi8, #tpu.memory_space<any>>
    tpu.wait_dma2 semaphore(%arg4 : memref<!tpu.dma_semaphore, #tpu.memory_space<semaphore_mem>>) src(%arg2 : memref<64x8192xi8, #tpu.memory_space<vmem>>) dst(%dma_wait3A_778 : memref<64x8192xi8, #tpu.memory_space<any>>)
    %dma_wait3A_779 = arith.constant 6464 : i32
    %dma_wait3A_780 = arith.constant 0 : i32
    %dma_wait3A_781 = tpu.memref_slice %arg1[%dma_wait3A_779, %dma_wait3A_780] : memref<8192x8192xi8, #tpu.memory_space<any>> -> memref<64x8192xi8, #tpu.memory_space<any>>
    tpu.wait_dma2 semaphore(%arg4 : memref<!tpu.dma_semaphore, #tpu.memory_space<semaphore_mem>>) src(%arg2 : memref<64x8192xi8, #tpu.memory_space<vmem>>) dst(%dma_wait3A_781 : memref<64x8192xi8, #tpu.memory_space<any>>)
    %dma_wait3A_782 = arith.constant 6528 : i32
    %dma_wait3A_783 = arith.constant 0 : i32
    %dma_wait3A_784 = tpu.memref_slice %arg1[%dma_wait3A_782, %dma_wait3A_783] : memref<8192x8192xi8, #tpu.memory_space<any>> -> memref<64x8192xi8, #tpu.memory_space<any>>
    tpu.wait_dma2 semaphore(%arg4 : memref<!tpu.dma_semaphore, #tpu.memory_space<semaphore_mem>>) src(%arg2 : memref<64x8192xi8, #tpu.memory_space<vmem>>) dst(%dma_wait3A_784 : memref<64x8192xi8, #tpu.memory_space<any>>)
    %dma_wait3A_785 = arith.constant 6592 : i32
    %dma_wait3A_786 = arith.constant 0 : i32
    %dma_wait3A_787 = tpu.memref_slice %arg1[%dma_wait3A_785, %dma_wait3A_786] : memref<8192x8192xi8, #tpu.memory_space<any>> -> memref<64x8192xi8, #tpu.memory_space<any>>
    tpu.wait_dma2 semaphore(%arg4 : memref<!tpu.dma_semaphore, #tpu.memory_space<semaphore_mem>>) src(%arg2 : memref<64x8192xi8, #tpu.memory_space<vmem>>) dst(%dma_wait3A_787 : memref<64x8192xi8, #tpu.memory_space<any>>)
    %dma_wait3A_788 = arith.constant 6656 : i32
    %dma_wait3A_789 = arith.constant 0 : i32
    %dma_wait3A_790 = tpu.memref_slice %arg1[%dma_wait3A_788, %dma_wait3A_789] : memref<8192x8192xi8, #tpu.memory_space<any>> -> memref<64x8192xi8, #tpu.memory_space<any>>
    tpu.wait_dma2 semaphore(%arg4 : memref<!tpu.dma_semaphore, #tpu.memory_space<semaphore_mem>>) src(%arg2 : memref<64x8192xi8, #tpu.memory_space<vmem>>) dst(%dma_wait3A_790 : memref<64x8192xi8, #tpu.memory_space<any>>)
    %dma_wait3A_791 = arith.constant 6720 : i32
    %dma_wait3A_792 = arith.constant 0 : i32
    %dma_wait3A_793 = tpu.memref_slice %arg1[%dma_wait3A_791, %dma_wait3A_792] : memref<8192x8192xi8, #tpu.memory_space<any>> -> memref<64x8192xi8, #tpu.memory_space<any>>
    tpu.wait_dma2 semaphore(%arg4 : memref<!tpu.dma_semaphore, #tpu.memory_space<semaphore_mem>>) src(%arg2 : memref<64x8192xi8, #tpu.memory_space<vmem>>) dst(%dma_wait3A_793 : memref<64x8192xi8, #tpu.memory_space<any>>)
    %dma_wait3A_794 = arith.constant 6784 : i32
    %dma_wait3A_795 = arith.constant 0 : i32
    %dma_wait3A_796 = tpu.memref_slice %arg1[%dma_wait3A_794, %dma_wait3A_795] : memref<8192x8192xi8, #tpu.memory_space<any>> -> memref<64x8192xi8, #tpu.memory_space<any>>
    tpu.wait_dma2 semaphore(%arg4 : memref<!tpu.dma_semaphore, #tpu.memory_space<semaphore_mem>>) src(%arg2 : memref<64x8192xi8, #tpu.memory_space<vmem>>) dst(%dma_wait3A_796 : memref<64x8192xi8, #tpu.memory_space<any>>)
    %dma_wait3A_797 = arith.constant 6848 : i32
    %dma_wait3A_798 = arith.constant 0 : i32
    %dma_wait3A_799 = tpu.memref_slice %arg1[%dma_wait3A_797, %dma_wait3A_798] : memref<8192x8192xi8, #tpu.memory_space<any>> -> memref<64x8192xi8, #tpu.memory_space<any>>
    tpu.wait_dma2 semaphore(%arg4 : memref<!tpu.dma_semaphore, #tpu.memory_space<semaphore_mem>>) src(%arg2 : memref<64x8192xi8, #tpu.memory_space<vmem>>) dst(%dma_wait3A_799 : memref<64x8192xi8, #tpu.memory_space<any>>)
    %dma_wait3A_800 = arith.constant 6912 : i32
    %dma_wait3A_801 = arith.constant 0 : i32
    %dma_wait3A_802 = tpu.memref_slice %arg1[%dma_wait3A_800, %dma_wait3A_801] : memref<8192x8192xi8, #tpu.memory_space<any>> -> memref<64x8192xi8, #tpu.memory_space<any>>
    tpu.wait_dma2 semaphore(%arg4 : memref<!tpu.dma_semaphore, #tpu.memory_space<semaphore_mem>>) src(%arg2 : memref<64x8192xi8, #tpu.memory_space<vmem>>) dst(%dma_wait3A_802 : memref<64x8192xi8, #tpu.memory_space<any>>)
    %dma_wait3A_803 = arith.constant 6976 : i32
    %dma_wait3A_804 = arith.constant 0 : i32
    %dma_wait3A_805 = tpu.memref_slice %arg1[%dma_wait3A_803, %dma_wait3A_804] : memref<8192x8192xi8, #tpu.memory_space<any>> -> memref<64x8192xi8, #tpu.memory_space<any>>
    tpu.wait_dma2 semaphore(%arg4 : memref<!tpu.dma_semaphore, #tpu.memory_space<semaphore_mem>>) src(%arg2 : memref<64x8192xi8, #tpu.memory_space<vmem>>) dst(%dma_wait3A_805 : memref<64x8192xi8, #tpu.memory_space<any>>)
    %dma_wait3A_806 = arith.constant 7040 : i32
    %dma_wait3A_807 = arith.constant 0 : i32
    %dma_wait3A_808 = tpu.memref_slice %arg1[%dma_wait3A_806, %dma_wait3A_807] : memref<8192x8192xi8, #tpu.memory_space<any>> -> memref<64x8192xi8, #tpu.memory_space<any>>
    tpu.wait_dma2 semaphore(%arg4 : memref<!tpu.dma_semaphore, #tpu.memory_space<semaphore_mem>>) src(%arg2 : memref<64x8192xi8, #tpu.memory_space<vmem>>) dst(%dma_wait3A_808 : memref<64x8192xi8, #tpu.memory_space<any>>)
    %dma_wait3A_809 = arith.constant 7104 : i32
    %dma_wait3A_810 = arith.constant 0 : i32
    %dma_wait3A_811 = tpu.memref_slice %arg1[%dma_wait3A_809, %dma_wait3A_810] : memref<8192x8192xi8, #tpu.memory_space<any>> -> memref<64x8192xi8, #tpu.memory_space<any>>
    tpu.wait_dma2 semaphore(%arg4 : memref<!tpu.dma_semaphore, #tpu.memory_space<semaphore_mem>>) src(%arg2 : memref<64x8192xi8, #tpu.memory_space<vmem>>) dst(%dma_wait3A_811 : memref<64x8192xi8, #tpu.memory_space<any>>)
    %dma_wait3A_812 = arith.constant 7168 : i32
    %dma_wait3A_813 = arith.constant 0 : i32
    %dma_wait3A_814 = tpu.memref_slice %arg1[%dma_wait3A_812, %dma_wait3A_813] : memref<8192x8192xi8, #tpu.memory_space<any>> -> memref<64x8192xi8, #tpu.memory_space<any>>
    tpu.wait_dma2 semaphore(%arg4 : memref<!tpu.dma_semaphore, #tpu.memory_space<semaphore_mem>>) src(%arg2 : memref<64x8192xi8, #tpu.memory_space<vmem>>) dst(%dma_wait3A_814 : memref<64x8192xi8, #tpu.memory_space<any>>)
    %dma_wait3A_815 = arith.constant 7232 : i32
    %dma_wait3A_816 = arith.constant 0 : i32
    %dma_wait3A_817 = tpu.memref_slice %arg1[%dma_wait3A_815, %dma_wait3A_816] : memref<8192x8192xi8, #tpu.memory_space<any>> -> memref<64x8192xi8, #tpu.memory_space<any>>
    tpu.wait_dma2 semaphore(%arg4 : memref<!tpu.dma_semaphore, #tpu.memory_space<semaphore_mem>>) src(%arg2 : memref<64x8192xi8, #tpu.memory_space<vmem>>) dst(%dma_wait3A_817 : memref<64x8192xi8, #tpu.memory_space<any>>)
    %dma_wait3A_818 = arith.constant 7296 : i32
    %dma_wait3A_819 = arith.constant 0 : i32
    %dma_wait3A_820 = tpu.memref_slice %arg1[%dma_wait3A_818, %dma_wait3A_819] : memref<8192x8192xi8, #tpu.memory_space<any>> -> memref<64x8192xi8, #tpu.memory_space<any>>
    tpu.wait_dma2 semaphore(%arg4 : memref<!tpu.dma_semaphore, #tpu.memory_space<semaphore_mem>>) src(%arg2 : memref<64x8192xi8, #tpu.memory_space<vmem>>) dst(%dma_wait3A_820 : memref<64x8192xi8, #tpu.memory_space<any>>)
    %dma_wait3A_821 = arith.constant 7360 : i32
    %dma_wait3A_822 = arith.constant 0 : i32
    %dma_wait3A_823 = tpu.memref_slice %arg1[%dma_wait3A_821, %dma_wait3A_822] : memref<8192x8192xi8, #tpu.memory_space<any>> -> memref<64x8192xi8, #tpu.memory_space<any>>
    tpu.wait_dma2 semaphore(%arg4 : memref<!tpu.dma_semaphore, #tpu.memory_space<semaphore_mem>>) src(%arg2 : memref<64x8192xi8, #tpu.memory_space<vmem>>) dst(%dma_wait3A_823 : memref<64x8192xi8, #tpu.memory_space<any>>)
    %dma_wait3A_824 = arith.constant 7424 : i32
    %dma_wait3A_825 = arith.constant 0 : i32
    %dma_wait3A_826 = tpu.memref_slice %arg1[%dma_wait3A_824, %dma_wait3A_825] : memref<8192x8192xi8, #tpu.memory_space<any>> -> memref<64x8192xi8, #tpu.memory_space<any>>
    tpu.wait_dma2 semaphore(%arg4 : memref<!tpu.dma_semaphore, #tpu.memory_space<semaphore_mem>>) src(%arg2 : memref<64x8192xi8, #tpu.memory_space<vmem>>) dst(%dma_wait3A_826 : memref<64x8192xi8, #tpu.memory_space<any>>)
    %dma_wait3A_827 = arith.constant 7488 : i32
    %dma_wait3A_828 = arith.constant 0 : i32
    %dma_wait3A_829 = tpu.memref_slice %arg1[%dma_wait3A_827, %dma_wait3A_828] : memref<8192x8192xi8, #tpu.memory_space<any>> -> memref<64x8192xi8, #tpu.memory_space<any>>
    tpu.wait_dma2 semaphore(%arg4 : memref<!tpu.dma_semaphore, #tpu.memory_space<semaphore_mem>>) src(%arg2 : memref<64x8192xi8, #tpu.memory_space<vmem>>) dst(%dma_wait3A_829 : memref<64x8192xi8, #tpu.memory_space<any>>)
    %dma_wait3A_830 = arith.constant 7552 : i32
    %dma_wait3A_831 = arith.constant 0 : i32
    %dma_wait3A_832 = tpu.memref_slice %arg1[%dma_wait3A_830, %dma_wait3A_831] : memref<8192x8192xi8, #tpu.memory_space<any>> -> memref<64x8192xi8, #tpu.memory_space<any>>
    tpu.wait_dma2 semaphore(%arg4 : memref<!tpu.dma_semaphore, #tpu.memory_space<semaphore_mem>>) src(%arg2 : memref<64x8192xi8, #tpu.memory_space<vmem>>) dst(%dma_wait3A_832 : memref<64x8192xi8, #tpu.memory_space<any>>)
    %dma_wait3A_833 = arith.constant 7616 : i32
    %dma_wait3A_834 = arith.constant 0 : i32
    %dma_wait3A_835 = tpu.memref_slice %arg1[%dma_wait3A_833, %dma_wait3A_834] : memref<8192x8192xi8, #tpu.memory_space<any>> -> memref<64x8192xi8, #tpu.memory_space<any>>
    tpu.wait_dma2 semaphore(%arg4 : memref<!tpu.dma_semaphore, #tpu.memory_space<semaphore_mem>>) src(%arg2 : memref<64x8192xi8, #tpu.memory_space<vmem>>) dst(%dma_wait3A_835 : memref<64x8192xi8, #tpu.memory_space<any>>)
    %dma_wait3A_836 = arith.constant 7680 : i32
    %dma_wait3A_837 = arith.constant 0 : i32
    %dma_wait3A_838 = tpu.memref_slice %arg1[%dma_wait3A_836, %dma_wait3A_837] : memref<8192x8192xi8, #tpu.memory_space<any>> -> memref<64x8192xi8, #tpu.memory_space<any>>
    tpu.wait_dma2 semaphore(%arg4 : memref<!tpu.dma_semaphore, #tpu.memory_space<semaphore_mem>>) src(%arg2 : memref<64x8192xi8, #tpu.memory_space<vmem>>) dst(%dma_wait3A_838 : memref<64x8192xi8, #tpu.memory_space<any>>)
    %dma_wait3A_839 = arith.constant 7744 : i32
    %dma_wait3A_840 = arith.constant 0 : i32
    %dma_wait3A_841 = tpu.memref_slice %arg1[%dma_wait3A_839, %dma_wait3A_840] : memref<8192x8192xi8, #tpu.memory_space<any>> -> memref<64x8192xi8, #tpu.memory_space<any>>
    tpu.wait_dma2 semaphore(%arg4 : memref<!tpu.dma_semaphore, #tpu.memory_space<semaphore_mem>>) src(%arg2 : memref<64x8192xi8, #tpu.memory_space<vmem>>) dst(%dma_wait3A_841 : memref<64x8192xi8, #tpu.memory_space<any>>)
    %dma_wait3A_842 = arith.constant 7808 : i32
    %dma_wait3A_843 = arith.constant 0 : i32
    %dma_wait3A_844 = tpu.memref_slice %arg1[%dma_wait3A_842, %dma_wait3A_843] : memref<8192x8192xi8, #tpu.memory_space<any>> -> memref<64x8192xi8, #tpu.memory_space<any>>
    tpu.wait_dma2 semaphore(%arg4 : memref<!tpu.dma_semaphore, #tpu.memory_space<semaphore_mem>>) src(%arg2 : memref<64x8192xi8, #tpu.memory_space<vmem>>) dst(%dma_wait3A_844 : memref<64x8192xi8, #tpu.memory_space<any>>)
    %dma_wait3A_845 = arith.constant 7872 : i32
    %dma_wait3A_846 = arith.constant 0 : i32
    %dma_wait3A_847 = tpu.memref_slice %arg1[%dma_wait3A_845, %dma_wait3A_846] : memref<8192x8192xi8, #tpu.memory_space<any>> -> memref<64x8192xi8, #tpu.memory_space<any>>
    tpu.wait_dma2 semaphore(%arg4 : memref<!tpu.dma_semaphore, #tpu.memory_space<semaphore_mem>>) src(%arg2 : memref<64x8192xi8, #tpu.memory_space<vmem>>) dst(%dma_wait3A_847 : memref<64x8192xi8, #tpu.memory_space<any>>)
    %dma_wait3A_848 = arith.constant 7936 : i32
    %dma_wait3A_849 = arith.constant 0 : i32
    %dma_wait3A_850 = tpu.memref_slice %arg1[%dma_wait3A_848, %dma_wait3A_849] : memref<8192x8192xi8, #tpu.memory_space<any>> -> memref<64x8192xi8, #tpu.memory_space<any>>
    tpu.wait_dma2 semaphore(%arg4 : memref<!tpu.dma_semaphore, #tpu.memory_space<semaphore_mem>>) src(%arg2 : memref<64x8192xi8, #tpu.memory_space<vmem>>) dst(%dma_wait3A_850 : memref<64x8192xi8, #tpu.memory_space<any>>)
    %dma_wait3A_851 = arith.constant 8000 : i32
    %dma_wait3A_852 = arith.constant 0 : i32
    %dma_wait3A_853 = tpu.memref_slice %arg1[%dma_wait3A_851, %dma_wait3A_852] : memref<8192x8192xi8, #tpu.memory_space<any>> -> memref<64x8192xi8, #tpu.memory_space<any>>
    tpu.wait_dma2 semaphore(%arg4 : memref<!tpu.dma_semaphore, #tpu.memory_space<semaphore_mem>>) src(%arg2 : memref<64x8192xi8, #tpu.memory_space<vmem>>) dst(%dma_wait3A_853 : memref<64x8192xi8, #tpu.memory_space<any>>)
    %dma_wait3A_854 = arith.constant 8064 : i32
    %dma_wait3A_855 = arith.constant 0 : i32
    %dma_wait3A_856 = tpu.memref_slice %arg1[%dma_wait3A_854, %dma_wait3A_855] : memref<8192x8192xi8, #tpu.memory_space<any>> -> memref<64x8192xi8, #tpu.memory_space<any>>
    tpu.wait_dma2 semaphore(%arg4 : memref<!tpu.dma_semaphore, #tpu.memory_space<semaphore_mem>>) src(%arg2 : memref<64x8192xi8, #tpu.memory_space<vmem>>) dst(%dma_wait3A_856 : memref<64x8192xi8, #tpu.memory_space<any>>)
    %dma_wait3A_857 = arith.constant 8128 : i32
    %dma_wait3A_858 = arith.constant 0 : i32
    %dma_wait3A_859 = tpu.memref_slice %arg1[%dma_wait3A_857, %dma_wait3A_858] : memref<8192x8192xi8, #tpu.memory_space<any>> -> memref<64x8192xi8, #tpu.memory_space<any>>
    tpu.wait_dma2 semaphore(%arg4 : memref<!tpu.dma_semaphore, #tpu.memory_space<semaphore_mem>>) src(%arg2 : memref<64x8192xi8, #tpu.memory_space<vmem>>) dst(%dma_wait3A_859 : memref<64x8192xi8, #tpu.memory_space<any>>)
    %dma_start3A_860 = tpu.memref_slice %arg1[%multiple_of3A, %multiple_of3A_81] : memref<8192x8192xi8, #tpu.memory_space<any>> -> memref<8x128xi8, #tpu.memory_space<any>>
    tpu.enqueue_dma source(%arg3 : memref<8x128xi8, #tpu.memory_space<vmem>>) target(%dma_start3A_860 : memref<8x128xi8, #tpu.memory_space<any>>) target_semaphore(%arg4 : memref<!tpu.dma_semaphore, #tpu.memory_space<semaphore_mem>>)
    %dma_wait3A_861 = tpu.memref_slice %arg1[%multiple_of3A, %multiple_of3A_81] : memref<8192x8192xi8, #tpu.memory_space<any>> -> memref<8x128xi8, #tpu.memory_space<any>>
    tpu.wait_dma2 semaphore(%arg4 : memref<!tpu.dma_semaphore, #tpu.memory_space<semaphore_mem>>) src(%arg3 : memref<8x128xi8, #tpu.memory_space<vmem>>) dst(%dma_wait3A_861 : memref<8x128xi8, #tpu.memory_space<any>>)
    return
  }
}

</mosaic_0001>

<sc_bundles>
// kernel: kernel.3.cloned.1.call-start
scs
__scs_entry_jumppad:
0x0: {  	(pc) =	sbr.rel $0x88, $3  }
0x1: {  	(tag) =	ssettag $0x0;
	lr =	simm.s32 $0x1  }
0x2: {  	[smem:$0x3F9D] =	sst lr;
	_ =	strace $0xD0000000  }
0x3: {  	_ = 	snop  }
0x4: {  	_ = 	snop  }
0x5: {  	_ = 	snop  }
0x6: {  	_ = 	snop  }
0x7: {  	_ = 	snop  }
__scs_overlays_trampoline_lowered:
0x8: {  	[smem:$0x3FAC] =	sst s0  }
0x9: {  	[smem:$0x3FAD] =	sst s1  }
0xa: {  	[smem:$0x3FAE] =	sst s2  }
0xb: {  	[smem:$0x3FAF] =	sst s3  }
0xc: {  	[smem:$0x3FB0] =	sst s4  }
0xd: {  	[smem:$0x3FB1] =	sst s5  }
0xe: {  	[smem:$0x3FB2] =	sst s6  }
0xf: {  	[smem:$0x3FB3] =	sst s7  }
0x10: {  	[smem:$0x3FB4] =	sst s8  }
0x11: {  	[smem:$0x3FB5] =	sst s9;
	s0 =	simm.s32 @!p0 $0x0  }
0x12: {  	s1 =	sld [smem:$0x3F9B];
	s0 =	simm.s32 @p0 $0x1  }
0x13: {  	[smem:$0x3FB6] =	sst s0;
	s0 =	simm.s32 @!p1 $0x0  }
0x14: {  	s2 =	sld [smem:$0x3F9A];
	s0 =	simm.s32 @p1 $0x1  }
0x15: {  	[smem:$0x3FB7] =	sst s0;
	s0 =	simm.s32 @!p2 $0x0  }
0x16: {  	s3 =	sld [smem:$0x3FDB];
	s0 =	simm.s32 @p2 $0x1  }
0x17: {  	s4 =	simm.s32 $0x1BF5;
	[smem:$0x3FB9] =	sst s0  }
0x18: {  	s0 =	sld [smem:$0x3F9C];
	_ =	swait.ge [sflag:s4], $0x0  }
0x19: {  	s7 =	sld [smem:$0x3F9D]  }
0x1a: {  	s8 =	sadd.s32 $0xFFFFE003, lr  }
0x1b: {  	s9 =	sadd.s32 $0xFFFFFEF7, lr;
	s5 =	simm.s32 $0xFFFFFFFF;
	p2 =	slt.u32 s8, $0xFFFFF086  }
0x1c: {  	p1 =	slt.u32 s9, $0xF7A;
	s5 =	simm.s32 @!p2 $0x0  }
0x1d: {  	s5 =	simm.s32 @p1 $0x1;
	p0 =	seq.s32 s7, s2  }
0x1e: {  	s7 =	smul.u32 @!p0 $0xF7A, s2;
	p2 =	seq.s32 @!p0 s5, $0x0  }
0x1f: {  	s9 =	smul.u32 $0xF7A, s1;
	s8 =	simm.s32 @!p0 $0x1BF5;
	p2 =	por !p2, p0  }
0x20: {  	[sflag:s8] =	ssyncset.s32 @!p0 $0xFFFFF086;
	s6 =	sadd.s32 @!p0 s3, s7;
	s7 =	simm.s32 @!p0 $0x108  }
0x21: {  	s3 =	sadd.s32 s3, s9;
	s6 =	sadd.s32 @!p0 $0x88, s6;
	s7 =	simm.s32 @p2 $0x1082  }
0x22: {  	[simem:s7], [sflag:s8] =	dma.local @!p0 [hbm:s6], $0xF7A  }
0x23: {  	s9 =	sor.u32 $0xD0000000, s2;
	s6 =	simm.s32 $0x108;
	_ =	swait.ge @!p0 [sflag:s8], $0x0  }
0x24: {  	s3 =	sadd.s32 $0x88, s3;
	s6 =	simm.s32 @!p1 $0x1082;
	[sflag:s4] =	ssyncset.s32 $0xFFFFF086  }
0x25: {  	[simem:s6], [sflag:s4] =	dma.local [hbm:s3], $0xF7A  }
0x26: {  	[smem:$0x3F9D] =	sst s1;
	(tag) =	ssettag s2;
	_ =	strace s9  }
0x27: {  	s1 =	sld [smem:$0x3FAD]  }
0x28: {  	s2 =	sld [smem:$0x3FAE]  }
0x29: {  	s4 =	sld [smem:$0x3FB0]  }
0x2a: {  	p0 =	seq.s32 s5, $0x0;
	s5 =	sld [smem:$0x3FB1]  }
0x2b: {  	s6 =	sld [smem:$0x3FB2]  }
0x2c: {  	s7 =	sld [smem:$0x3FB3]  }
0x2d: {  	s3 =	simm.s32 $0x108;
	s8 =	sld [smem:$0x3FB4]  }
0x2e: {  	s3 =	simm.s32 @!p0 $0x1082;
	s9 =	sld [smem:$0x3FB5]  }
0x2f: {  	lr =	sadd.s32 s0, s3;
	s0 =	sld [smem:$0x3FAC]  }
0x30: {  	s3 =	sld [smem:$0x3FAF]  }
0x31: {  	[smem:$0x3FB8] =	sst s10  }
0x32: {  	s10 =	sld [smem:$0x3FB6];
	_ =	sdelay $0x3  }
0x33: {  	p0 =	seq.s32 s10, $0x1;
	s10 =	sld [smem:$0x3FB8];
	_ =	sdelay $0x3  }
0x34: {  	[smem:$0x3FB8] =	sst s10  }
0x35: {  	s10 =	sld [smem:$0x3FB7];
	_ =	sdelay $0x3  }
0x36: {  	p1 =	seq.s32 s10, $0x1;
	s10 =	sld [smem:$0x3FB8];
	_ =	sdelay $0x3  }
0x37: {  	[smem:$0x3FB8] =	sst s10  }
0x38: {  	s10 =	sld [smem:$0x3FB9]  }
0x39: {  	_ = 	snop;
	(pc) =	sbr.ind lr, $3  }
0x3a: {  	_ = 	snop  }
0x3b: {  	_ = 	snop  }
0x3c: {  	p2 =	seq.s32 s10, $0x1;
	s10 =	sld [smem:$0x3FB8]  }
0x3d: {  	_ =	shalt  }
0x3e: {  	_ =	shalt  }
0x3f: {  	_ =	shalt  }
0x40: {  	_ =	shalt  }
0x41: {  	_ =	shalt  }
0x42: {  	_ =	shalt  }
0x43: {  	_ =	shalt  }
0x44: {  	_ =	shalt  }
0x45: {  	_ =	shalt  }
0x46: {  	_ =	shalt  }
0x47: {  	_ =	shalt  }
0x48: {  	_ =	shalt  }
0x49: {  	_ =	shalt  }
0x4a: {  	_ =	shalt  }
0x4b: {  	_ =	shalt  }
0x4c: {  	_ =	shalt  }
0x4d: {  	_ =	shalt  }
0x4e: {  	_ =	shalt  }
0x4f: {  	_ =	shalt  }
0x50: {  	_ =	shalt  }
0x51: {  	_ =	shalt  }
0x52: {  	_ =	shalt  }
0x53: {  	_ =	shalt  }
0x54: {  	_ =	shalt  }
0x55: {  	_ =	shalt  }
0x56: {  	_ =	shalt  }
0x57: {  	_ =	shalt  }
0x58: {  	_ =	shalt  }
0x59: {  	_ =	shalt  }
0x5a: {  	_ =	shalt  }
0x5b: {  	_ =	shalt  }
0x5c: {  	_ =	shalt  }
0x5d: {  	_ =	shalt  }
0x5e: {  	_ =	shalt  }
0x5f: {  	_ =	shalt  }
0x60: {  	_ =	shalt  }
0x61: {  	_ =	shalt  }
0x62: {  	_ =	shalt  }
0x63: {  	_ =	shalt  }
0x64: {  	_ =	shalt  }
0x65: {  	_ =	shalt  }
0x66: {  	_ =	shalt  }
0x67: {  	_ =	shalt  }
0x68: {  	_ =	shalt  }
0x69: {  	_ =	shalt  }
0x6a: {  	_ =	shalt  }
0x6b: {  	_ =	shalt  }
0x6c: {  	_ =	shalt  }
0x6d: {  	_ =	shalt  }
0x6e: {  	_ =	shalt  }
0x6f: {  	_ =	shalt  }
0x70: {  	_ =	shalt  }
0x71: {  	_ =	shalt  }
0x72: {  	_ =	shalt  }
0x73: {  	_ =	shalt  }
0x74: {  	_ =	shalt  }
0x75: {  	_ =	shalt  }
0x76: {  	_ =	shalt  }
0x77: {  	_ =	shalt  }
0x78: {  	_ =	shalt  }
0x79: {  	_ =	shalt  }
0x7a: {  	_ =	shalt  }
0x7b: {  	_ =	shalt  }
0x7c: {  	_ =	shalt  }
0x7d: {  	_ =	shalt  }
0x7e: {  	_ =	shalt  }
0x7f: {  	_ =	shalt  }
0x80: {  	_ =	shalt  }
0x81: {  	_ =	shalt  }
0x82: {  	_ =	shalt  }
0x83: {  	_ =	shalt  }
0x84: {  	_ =	shalt  }
0x85: {  	_ =	shalt  }
0x86: {  	_ =	shalt  }
0x87: {  	_ =	shalt  }
.Lfunc_end0:
.L_simem_size_0:
called_computation_lowered:
.L_overlay_start_0:
0x88: {  	s0 =	sld [smem:$0x3FD9]  }
0x89: {  	s1 =	sld [smem:$0x3FFE];
	_ =	sdelay $0x3  }
0x8a: {  	s0 =	sadd.s32 s1, s0  }
0x8b: {  	[smem:$0x3FC4] =	sst s0  }
0x8c: {  	_ = 	snop  }
0x8d: {  	(tm) =	ssettm $0x1  }
0x8e: {  	s15 =	sld [smem:$0x3FFB];
	_ =	sdelay $0x3  }
0x8f: {  	_ =	strace s15  }
0x90: {  	s0 =	sld [smem:$0x3FFC];
	_ =	sdelay $0x3  }
0x91: {  	_ =	strace s0  }
0x92: {  	s0 =	sld [smem:$0x3FFD];
	_ =	sdelay $0x3  }
0x93: {  	_ =	strace s0  }
0x94: {  	_ =	strace $0x8FFFFFFF  }
0x95: {  	s16 =	sld [smem:$0x3FDB];
	_ =	sdelay $0x1  }
0x96: {  	s17 =	simm.s32 $_scs_section_size  }
0x97: {  	s2 =	simm.s32 $_size__tile_overlayer_lowered;
	s3 =	simm.s32 $_tile_overlayer_lowered  }
0x98: {  	s20 =	simm.s32 $0x1BFF;
	s19 =	sshll.u32 s3, $0x1;
	s0 =	sadd.s32 s17, s16  }
0x99: {  	s4 =	simm.s32 $0x0;
	s18 =	sshll.u32 s2, $0x1;
	s2 =	sadd.s32 s19, s0  }
0x9a: {  	[timem:s4], [sflag:s20] =	dma.local [hbm:s2], s18  }
0x9b: {  	_ =	swait.ge [sflag:s20], s18  }
0x9c: {  	s1 =	ssub.s32 $0x0, s18;
	[sflag:s20] =	ssyncset.done $0x0  }
0x9d: {  	[sflag:s20] =	ssyncadd.s32 s1;
	_ =	sdelay $0x1  }
0x9e: {  	s21 =	simm.s32 $0x1B8B  }
0x9f: {  	_ =	swait.ge [sflag:s21], $0x1  }
0xa0: {  	[sflag:s21] =	ssyncset.done $0x0  }
0xa1: {  	s23 =	simm.s32 $0x1B8E;
	s22 =	sld [smem:$0x3FFE];
	[sflag:s21] =	ssyncadd.s32 $0xFFFFFFFF  }
0xa2: {  	s24 =	simm.s32 $execute0_lowered;
	[smem:$0x3FD2] =	sst s23  }
0xa3: {  	s2 =	sshll.u32 s24, $0x1;
	_ =	strace $0x80000046;
	[dreg:$0x1] =	wrdreg $0xFFFFFFFF  }
0xa4: {  	s25 =	simm.s32 $_size_execute0_lowered;
	s0 =	sadd.s32 s0, s2;
	[dreg:$0x0] =	wrdreg $0x0  }
0xa5: {  	s2 =	sshll.u32 s25, $0x1;
	[dreg:$0x2] =	wrdreg s0  }
0xa6: {  	[dreg:$0x3] =	wrdreg s2  }
0xa7: {  	[dreg:$0x4] =	wrdreg $0xC0  }
0xa8: {  	_ =	task [dreg:s4], $0x5FFFF  }
0xa9: {  	[dreg:$0x1] =	wrdreg $0xFFFFFFFF  }
0xaa: {  	[dreg:$0x0] =	wrdreg $0x60  }
0xab: {  	[dreg:$0x2] =	wrdreg s22  }
0xac: {  	[dreg:$0x3] =	wrdreg $0x9  }
0xad: {  	_ =	task.clear_ibuf [dreg:s4], $0x4FFFF;
	_ =	strace $0x90000046  }
0xae: {  	s26 =	simm.s32 $0x9;
	_ =	strace $0x80000048  }
0xaf: {  	_ =	swait.ge [sflag:s26], $0x1  }
0xb0: {  	[sflag:s26] =	ssyncadd.s32 $0xFFFFFFFF  }
0xb1: {  	_ =	strace $0x90000048  }
0xb2: {  	_ =	sfence  }
0xb3: {  	s28 =	sld [smem:$0x0];
	_ =	sdelay $0x1  }
0xb4: {  	s29 =	srdreg.scid  }
0xb5: {  	s30 =	sshll.u32 s29, $0xD;
	s31 =	sshrl.u32 s29, $0x2  }
0xb6: {  	s1 =	sand.u32 $0x1, s29;
	s2 =	sand.u32 $0x4000, s30;
	s0 =	sadd.s32 s31, s28  }
0xb7: {  	s1 =	sor.u32 s2, s1;
	s0 =	sshll.u32 s0, $0x11  }
0xb8: {  	s0 =	sor.u32 s0, s1  }
0xb9: {  	s0 =	sadd.s32 $0x8F2B, s0  }
0xba: {  	[sflag:s0] =	ssyncadd.remote.s32 $0x1  }
0xbb: {  	_ =	sfence.sel $0xFFFF  }
0xbc: {  	[dreg:$0x0] =	wrdreg $0xFFFFFFFF;
	(pc) =	sbr.abs _section_cstart, $3  }
0xbd: {  	[dreg:$0x1] =	wrdreg $0xFFFFFFFF  }
0xbe: {  	_ =	task.clear_ibuf [dreg:s4], $0x2FFFF;
	_ =	strace $0x9FFFFFFF  }
0xbf: {  	(tm) =	ssettm $0x7FFFFFFF  }
tec
execute0_lowered:
.L_overlay_start_1:
0x0: {  	(tag) =	ssettag $0x1  }
0x1: {  	s0 =	rddreg [dreg:$0x0];
	s2 =	stileid.u32  }
0x2: {  	s1 =	rddreg [dreg:$0x1];
	_ =	strace $0x80000047;
	p0 =	sne.s32 s2, $0x0  }
0x3: {  	_ =	sfence.sel @p0 $0x180000  }
0x4: {  	[bflag:$0x0] =	sbarrier.arrive @p0 $0xFFFF  }
0x5: {  	_ =	strace @p0 $0x90000047  }
0x6: {  	s2 =	sadd.s32 $0x800, s0;
	s3 =	simm.s32 @!p0 $0x0;
	[bflag:$0x2] =	sbarrier.arrive @p0 $0xFFFF  }
0x7: {  	[tilespmem:s3], [sflag:$0x1] =	stream.linear.gather @!p0 [hbm4b:s2+s3], $0x80, $0x38;
	[tilespmem:$0x100] =	vst v63  }
0x8: {  	s2 =	simm.s32 @!p0 $0x1  }
0x9: {  	_ =	swait.ge @!p0 [sflag:s2], $0x80  }
0xa: {  	[sflag:s2] =	ssyncset.done @!p0 $0x0  }
0xb: {  	[sflag:s2] =	ssyncadd.s32 @!p0 $0xFFFFFF80  }
0xc: {  	v0 =	vld @!p0 [tilespmem:$0x0];
	_ =	sdelay $0x3  }
0xd: {  	v1 =	vimm.s32 @!p0 $0x0;
	vm0 =	vcmask @!p0 $0x300  }
0xe: {  	v1 =	vsel @!p0 vm0, $0x22, v1;
	vm0 =	vcmask @!p0 $0xB04;
	vm1 =	vgt.s32 @!p0 v0, $0x0  }
0xf: {  	v1 =	vsel @!p0 vm0, $0x1FFF, v1;
	v0 =	vnsel @!p0 vm1, $0x0, v0  }
0x10: {  	v0 =	vmin.u32 @!p0 v0, v1  }
0x11: {  	s0 =	sadd.s32 $0xA00, s0;
	s4 =	simm.s32 @!p0 $0x80;
	[tilespmem:$0x80] =	vst @!p0 v0  }
0x12: {  	[hbm4b:s0+s3] =	stream.linear.scatter @!p0 [tilespmem:s4], [sflag:$0x1], $0x80, $0x38;
	[tilespmem:$0x100] =	vst v63  }
0x13: {  	_ =	swait.ge @!p0 [sflag:s2], $0x80  }
0x14: {  	[sflag:s2] =	ssyncset.done @!p0 $0x0  }
0x15: {  	[sflag:s2] =	ssyncadd.s32 @!p0 $0xFFFFFF80  }
0x16: {  	_ =	sfence.sel @!p0 $0x180000  }
0x17: {  	[bflag:$0x0] =	sbarrier.arrive @!p0 $0xFFFF  }
0x18: {  	_ =	strace @!p0 $0x90000047  }
0x19: {  	s0 =	sadd.s32 @!p0 $0x100000, s1;
	[bflag:$0x2] =	sbarrier.arrive @!p0 $0xFFFF  }
0x1a: {  	[sflag:s0] =	ssyncadd.tile.s32 @!p0 $0x1;
	_ =	shalt  }
.Lfunc_end2:
_tile_overlayer_lowered:
.L_overlay_start_2:
0x1b: {  	(tag) =	ssettag $0x2  }
0x1c: {  	s0 =	rddreg [dreg:$0x0];
	s2 =	stileid.u32  }
0x1d: {  	s1 =	rddreg [dreg:$0x1];
	p0 =	sne.s32 s2, $0x0  }
0x1e: {  	s3 =	rddreg [dreg:$0x2];
	[bflag:$0x3] =	sbarrier.arrive $0xFFFF;
	s2 =	simm.s32 @!p0 $0x1C01  }
0x1f: {  	[timem:s3], [sflag:s2] =	dma.local @!p0 [hbm:s0], s1  }
0x20: {  	s0 =	simm.s32 @!p0 $0x1  }
0x21: {  	_ =	swait.ge @!p0 [sflag:s0], s1  }
0x22: {  	s1 =	ssub.s32 @!p0 $0x0, s1;
	[sflag:s0] =	ssyncset.done @!p0 $0x0  }
0x23: {  	[sflag:s0] =	ssyncadd.s32 @!p0 s1  }
0x24: {  	[bflag:$0x3] =	sbarrier.arrive $0xFFFF  }
0x25: {  	_ =	shalt  }

</sc_bundles>
